<compile_context>
chip_gen: v7x
topology: tpu7x:2x2x1
jax: 0.10.2.dev20260603
libtpu: 0.0.44.dev20260713+nightly
codegen_flags: <defaults>
</compile_context>

<pallas_src>
import jax
import jax.numpy as jnp
from jax import lax
from jax.experimental import pallas as pl
from jax.experimental.pallas import tpu as pltpu
from jax.experimental.pallas import tpu_sc as plsc

B = 4
N = 4096
K = 16
EPS = 1e-12
NSUB = 32
SUBS_PER_BATCH = NSUB // B
NCHUNK = N // 16

R_SC = 2944
ROWS_PER_SUB = R_SC // SUBS_PER_BATCH
TCR = 128
NB_TC = (N - R_SC) // TCR


def _sqrt16(x):
    i = lax.bitcast_convert_type(x, jnp.int32)
    y = lax.bitcast_convert_type((i >> 1) + jnp.int32(0x1FBD1DF5), jnp.float32)
    for _ in range(3):
        y = jnp.float32(0.5) * (y + x / y)
    return y


def _sc_body(pts, out, xs, ys, zs, d2b0, d2b1, sv0, sv1, accv):
    cid = lax.axis_index("c")
    sid = lax.axis_index("s")
    wid = cid * 16 + sid
    b = wid // SUBS_PER_BATCH
    q0 = (wid % SUBS_PER_BATCH) * ROWS_PER_SUB

    pltpu.sync_copy(pts.at[b * 3 + 0], xs)
    pltpu.sync_copy(pts.at[b * 3 + 1], ys)
    pltpu.sync_copy(pts.at[b * 3 + 2], zs)

    inf = jnp.float32(jnp.inf)
    iot = lax.iota(jnp.int32, 16)
    inf16 = jnp.full((16,), inf, jnp.float32)

    def select16(surv, n):
        best = lax.sort(surv[pl.ds(1, 16)])
        nch = (n - 16 + 15) // 16

        def p3(j, bst):
            base = 17 + j * 16
            v = surv[pl.ds(base, 16)]
            v = jnp.where(base - 1 + iot < n, v, inf)
            vs = lax.sort(v)
            return lax.sort(jnp.minimum(bst, lax.rev(vs, (0,))))

        best = lax.fori_loop(0, nch, p3, best)
        return _sqrt16(best + jnp.float32(EPS))

    def pair_step(p, acc):
        qa = jnp.full((16,), q0 + 2 * p, jnp.int32)
        qb = qa + 1
        qx0 = plsc.load_gather(xs, [qa])
        qy0 = plsc.load_gather(ys, [qa])
        qz0 = plsc.load_gather(zs, [qa])
        qx1 = plsc.load_gather(xs, [qb])
        qy1 = plsc.load_gather(ys, [qb])
        qz1 = plsc.load_gather(zs, [qb])

        @plsc.parallel_loop(0, NCHUNK // 2, carry=(inf16, inf16, inf16, inf16),
                            unroll=2)
        def p1(c, ms):
            m0a, m0b, m1a, m1b = ms
            sa = pl.ds(c * 32, 16)
            sb = pl.ds(c * 32 + 16, 16)
            cxa = xs[sa]
            cya = ys[sa]
            cza = zs[sa]
            cxb = xs[sb]
            cyb = ys[sb]
            czb = zs[sb]
            dx0a = cxa - qx0
            dy0a = cya - qy0
            dz0a = cza - qz0
            dx1a = cxa - qx1
            dy1a = cya - qy1
            dz1a = cza - qz1
            dx0b = cxb - qx0
            dy0b = cyb - qy0
            dz0b = czb - qz0
            dx1b = cxb - qx1
            dy1b = cyb - qy1
            dz1b = czb - qz1
            d20a = dx0a * dx0a + dy0a * dy0a + dz0a * dz0a
            d21a = dx1a * dx1a + dy1a * dy1a + dz1a * dz1a
            d20b = dx0b * dx0b + dy0b * dy0b + dz0b * dz0b
            d21b = dx1b * dx1b + dy1b * dy1b + dz1b * dz1b
            d2b0[sa] = d20a
            d2b0[sb] = d20b
            d2b1[sa] = d21a
            d2b1[sb] = d21b
            return (jnp.minimum(m0a, d20a), jnp.minimum(m0b, d20b),
                    jnp.minimum(m1a, d21a), jnp.minimum(m1b, d21b))

        tau0 = jnp.max(jnp.minimum(p1[0], p1[1]))
        tau1 = jnp.max(jnp.minimum(p1[2], p1[3]))

        zero16 = jnp.zeros((16,), jnp.int32)

        one16 = jnp.ones((16,), jnp.int32)

        @plsc.parallel_loop(0, NCHUNK, carry=(zero16, zero16), unroll=2)
        def p2(c, offs):
            off0, off1 = offs
            sl = pl.ds(c * 16, 16)
            v0 = d2b0[sl]
            v1 = d2b1[sl]
            k0 = v0 <= tau0
            k1 = v1 <= tau1
            pos0 = plsc.cumsum(one16, mask=k0) + off0
            pos1 = plsc.cumsum(one16, mask=k1) + off1
            plsc.store_scatter(sv0, [pos0], v0, mask=k0)
            plsc.store_scatter(sv1, [pos1], v1, mask=k1)
            return (off0 + plsc.all_reduce_population_count(k0),
                    off1 + plsc.all_reduce_population_count(k1))

        n0 = jnp.max(p2[0])
        n1 = jnp.max(p2[1])
        acc = acc + select16(sv0, n0)
        acc = acc + select16(sv1, n1)
        return acc

    acc = lax.fori_loop(0, ROWS_PER_SUB // 2, pair_step,
                        jnp.zeros((16,), jnp.float32))
    accv[...] = acc
    pltpu.sync_copy(accv, out.at[wid])


def _sc_rows(pts):
    sc_call = pl.kernel(
        _sc_body,
        out_type=jax.ShapeDtypeStruct((NSUB, 16), jnp.float32),
        mesh=plsc.VectorSubcoreMesh(core_axis_name="c", subcore_axis_name="s"),
        compiler_params=pltpu.CompilerParams(needs_layout_passes=False),
        scratch_types=[
            pltpu.VMEM((N,), jnp.float32),
            pltpu.VMEM((N,), jnp.float32),
            pltpu.VMEM((N,), jnp.float32),
            pltpu.VMEM((N,), jnp.float32),
            pltpu.VMEM((N,), jnp.float32),
            pltpu.VMEM((N + 32,), jnp.float32),
            pltpu.VMEM((N + 32,), jnp.float32),
            pltpu.VMEM((16,), jnp.float32),
        ],
    )
    return sc_call(pts)


def _tc_rows(pc, pts_t):
    def body(q_ref, c_ref, o_ref):
        q = q_ref[0]
        qx = q[:, 0:1]
        qy = q[:, 1:2]
        qz = q[:, 2:3]
        cx = c_ref[0, 0:1, :]
        cy = c_ref[0, 1:2, :]
        cz = c_ref[0, 2:3, :]
        dx = qx - cx
        dy = qy - cy
        dz = qz - cz
        d2 = dx * dx + dy * dy + dz * dz
        total = jnp.zeros((TCR, 1), jnp.float32)
        rem = jnp.full((TCR, 1), float(K), jnp.float32)
        inf = jnp.float32(jnp.inf)
        for _ in range(K):
            mn = jnp.min(d2, axis=1, keepdims=True)
            eq = d2 == mn
            cnt = jnp.sum(jnp.where(eq, 1.0, 0.0), axis=1, keepdims=True)
            take = jnp.minimum(cnt, rem)
            total += take * jnp.sqrt(mn + jnp.float32(EPS))
            rem = rem - take
            d2 = jnp.where(eq, inf, d2)
        o_ref[...] = jnp.broadcast_to(jnp.sum(total), (1, 1, 1, 1))

    return pl.pallas_call(
        body,
        grid=(B, NB_TC),
        in_specs=[
            pl.BlockSpec((1, TCR, 3), lambda b, j: (b, (R_SC // TCR) + j, 0)),
            pl.BlockSpec((1, 3, N), lambda b, j: (b, 0, 0)),
        ],
        out_specs=pl.BlockSpec((1, 1, 1, 1), lambda b, j: (b, j, 0, 0)),
        out_shape=jax.ShapeDtypeStruct((B, NB_TC, 1, 1), jnp.float32),
    )(pc, pts_t)


def _tc_reduce(parts_sc, parts_tc):
    def body(a_ref, b_ref, o_ref):
        val = (jnp.sum(a_ref[...]) + jnp.sum(b_ref[...])) * jnp.float32(
            1.0 / (B * N))
        o_ref[...] = jnp.broadcast_to(val, (1, 1))

    return pl.pallas_call(
        body,
        out_shape=jax.ShapeDtypeStruct((1, 1), jnp.float32),
    )(parts_sc, parts_tc)


@jax.jit
def kernel(point_cloud):
    pts_t = jnp.transpose(point_cloud, (0, 2, 1))
    pts = pts_t.reshape(B * 3, N)
    parts_sc = _sc_rows(pts)
    parts_tc = _tc_rows(point_cloud, pts_t).reshape(B, NB_TC)
    return _tc_reduce(parts_sc, parts_tc).reshape(())

# --- scband reference (transcript-rebuilt; emitter-appended) ---
"""Pipeline reference for scband-point-cloud-tvloss-13958643712287 (READ-ONLY COPY).

The authoritative reference and input builder live on the scoring server;
editing this copy changes nothing except your own understanding.
"""

import jax, jax.numpy as jnp
import numpy as np


def setup_inputs(seed: int = 0) -> dict:
    key = jax.random.key(seed)
    point_cloud = jax.random.normal(key, (4, 4096, 3), dtype=jnp.float32)
    return {"point_cloud": point_cloud}


def reference(point_cloud):
    k = 16
    e = 1e-12
    num_points = point_cloud.shape[1]

    def per_batch(pc):
        # brute-force kNN: pairwise squared distances [N, N]
        d2 = jnp.sum((pc[:, None, :] - pc[None, :, :]) ** 2, axis=-1)
        # k nearest neighbors (includes self, matching sklearn kneighbors)
        _, idx = jax.lax.top_k(-d2, k)          # [N, k]
        neighbors = jnp.take(pc, idx, axis=0)    # [N, k, 3]
        diff = pc[:, None, :] - neighbors         # [N, k, 3]
        dist = jnp.sqrt(jnp.sum(diff ** 2, axis=-1) + e)  # [N, k]
        h_tv = jnp.sum(dist)
        return h_tv / num_points

    losses = jax.vmap(per_batch)(point_cloud)  # [B]
    return jnp.mean(losses)

if __name__ == "__main__":
    import jax
    _d = setup_inputs()
    print(jax.jit(kernel)(*tuple(_d.values())))

</pallas_src>

<mosaic_0001>
#map = affine_map<(d0, d1) -> (0, 0)>
module attributes {stable_mosaic.version = 14 : i64} {
  func.func @_sc_body(%arg0: i32, %arg1: i32, %arg2: memref<12x4096xf32, #tpu.memory_space<hbm>>, %arg3: memref<32x16xf32, #tpu.memory_space<hbm>>, %arg4: memref<4096xf32, #tpu.memory_space<vmem>>, %arg5: memref<4096xf32, #tpu.memory_space<vmem>>, %arg6: memref<4096xf32, #tpu.memory_space<vmem>>, %arg7: memref<4096xf32, #tpu.memory_space<vmem>>, %arg8: memref<4096xf32, #tpu.memory_space<vmem>>, %arg9: memref<4128xf32, #tpu.memory_space<vmem>>, %arg10: memref<4128xf32, #tpu.memory_space<vmem>>, %arg11: memref<16xf32, #tpu.memory_space<vmem>>) attributes {dimension_semantics = [#tpu.dimension_semantics<core_parallel>, #tpu.dimension_semantics<subcore_parallel>], iteration_bounds = array<i64: 2, 16>, scalar_prefetch = 0 : i64, scratch_operands = 8 : i64, tpu.core_type = #tpu.core_type<sc_vector_subcore>, window_params = [{transform_indices = #map}, {transform_indices = #map}]} {
    %mul3A = arith.constant 16 : i32
    %mul3A_0 = arith.muli %arg0, %mul3A : i32
    %add3A = arith.addi %mul3A_0, %arg1 : i32
    %jit3A = arith.constant 8 : i32
    %div3A = arith.divsi %add3A, %jit3A : i32
    %sign3A = arith.constant 0 : i32
    %sign3A_1 = arith.cmpi sgt, %add3A, %sign3A : i32
    %sign3A_2 = arith.extui %sign3A_1 : i1 to i32
    %sign3A_3 = arith.constant 0 : i32
    %sign3A_4 = arith.cmpi slt, %add3A, %sign3A_3 : i32
    %sign3A_5 = arith.extui %sign3A_4 : i1 to i32
    %sign3A_6 = arith.subi %sign3A_2, %sign3A_5 : i32
    %sign3A_7 = arith.constant 0 : i32
    %sign3A_8 = arith.cmpi sgt, %jit3A, %sign3A_7 : i32
    %sign3A_9 = arith.extui %sign3A_8 : i1 to i32
    %sign3A_10 = arith.constant 0 : i32
    %sign3A_11 = arith.cmpi slt, %jit3A, %sign3A_10 : i32
    %sign3A_12 = arith.extui %sign3A_11 : i1 to i32
    %sign3A_13 = arith.subi %sign3A_9, %sign3A_12 : i32
    %ne3A = arith.cmpi ne, %sign3A_6, %sign3A_13 : i32
    %rem3A = arith.remsi %add3A, %jit3A : i32
    %ne3A_14 = arith.constant 0 : i32
    %ne3A_15 = arith.cmpi ne, %rem3A, %ne3A_14 : i32
    %and3A = arith.andi %ne3A, %ne3A_15 : i1
    %sub3A = arith.constant 1 : i32
    %sub3A_16 = arith.subi %div3A, %sub3A : i32
    %select_n3A = arith.select %and3A, %sub3A_16, %div3A : i32
    %jit3A_17 = arith.constant 8 : i32
    %eq3A = arith.constant 0 : i32
    %eq3A_18 = arith.cmpi eq, %jit3A_17, %eq3A : i32
    %jit3A_19 = arith.constant 1 : i32
    %select_n3A_20 = arith.select %eq3A_18, %jit3A_19, %jit3A_17 : i32
    %rem3A_21 = arith.remsi %add3A, %select_n3A_20 : i32
    %ne3A_22 = arith.constant 0 : i32
    %ne3A_23 = arith.cmpi ne, %rem3A_21, %ne3A_22 : i32
    %lt3A = arith.constant 0 : i32
    %lt3A_24 = arith.cmpi slt, %rem3A_21, %lt3A : i32
    %lt3A_25 = arith.constant 0 : i32
    %lt3A_26 = arith.cmpi slt, %select_n3A_20, %lt3A_25 : i32
    %ne3A_27 = arith.xori %lt3A_24, %lt3A_26 : i1
    %and3A_28 = arith.andi %ne3A_27, %ne3A_23 : i1
    %add3A_29 = arith.addi %rem3A_21, %select_n3A_20 : i32
    %select_n3A_30 = arith.select %and3A_28, %add3A_29, %rem3A_21 : i32
    %mul3A_31 = arith.constant 368 : i32
    %mul3A_32 = arith.muli %select_n3A_30, %mul3A_31 : i32
    %mul3A_33 = arith.constant 3 : i32
    %mul3A_34 = arith.muli %select_n3A, %mul3A_33 : i32
    %add3A_35 = arith.constant 0 : i32
    %add3A_36 = arith.addi %mul3A_34, %add3A_35 : i32
    "tpu.region"() ({
      %run_scoped3A = tpu.sem_alloc : memref<!tpu.dma_semaphore, #tpu.memory_space<semaphore_mem>>
      %dma_start3A = arith.constant 0 : i32
      %dma_start3A_55 = tpu.memref_slice %arg2[%add3A_36, %dma_start3A] : memref<12x4096xf32, #tpu.memory_space<hbm>> -> memref<1x4096xf32, #tpu.memory_space<hbm>>
      %dma_start3A_56 = tpu.memref_squeeze %dma_start3A_55 : memref<1x4096xf32, #tpu.memory_space<hbm>> -> memref<4096xf32, #tpu.memory_space<hbm>>
      %dma_start3A_57 = arith.constant 0 : i32
      %dma_start3A_58 = tpu.memref_slice %arg2[%add3A_36, %dma_start3A_57] : memref<12x4096xf32, #tpu.memory_space<hbm>> -> memref<1x4096xf32, #tpu.memory_space<hbm>>
      %dma_start3A_59 = tpu.memref_squeeze %dma_start3A_58 : memref<1x4096xf32, #tpu.memory_space<hbm>> -> memref<4096xf32, #tpu.memory_space<hbm>>
      tpu.enqueue_dma source(%dma_start3A_59 : memref<4096xf32, #tpu.memory_space<hbm>>) target(%arg4 : memref<4096xf32, #tpu.memory_space<vmem>>) target_semaphore(%run_scoped3A : memref<!tpu.dma_semaphore, #tpu.memory_space<semaphore_mem>>)
      %dma_wait3A = arith.constant 0 : i32
      %dma_wait3A_60 = tpu.memref_slice %arg2[%add3A_36, %dma_wait3A] : memref<12x4096xf32, #tpu.memory_space<hbm>> -> memref<1x4096xf32, #tpu.memory_space<hbm>>
      %dma_wait3A_61 = tpu.memref_squeeze %dma_wait3A_60 : memref<1x4096xf32, #tpu.memory_space<hbm>> -> memref<4096xf32, #tpu.memory_space<hbm>>
      %dma_wait3A_62 = arith.constant 0 : i32
      %dma_wait3A_63 = tpu.memref_slice %arg2[%add3A_36, %dma_wait3A_62] : memref<12x4096xf32, #tpu.memory_space<hbm>> -> memref<1x4096xf32, #tpu.memory_space<hbm>>
      %dma_wait3A_64 = tpu.memref_squeeze %dma_wait3A_63 : memref<1x4096xf32, #tpu.memory_space<hbm>> -> memref<4096xf32, #tpu.memory_space<hbm>>
      tpu.wait_dma2 semaphore(%run_scoped3A : memref<!tpu.dma_semaphore, #tpu.memory_space<semaphore_mem>>) src(%dma_wait3A_64 : memref<4096xf32, #tpu.memory_space<hbm>>) dst(%arg4 : memref<4096xf32, #tpu.memory_space<vmem>>)
      tpu.yield
    }) : () -> ()
    %mul3A_37 = arith.constant 3 : i32
    %mul3A_38 = arith.muli %select_n3A, %mul3A_37 : i32
    %add3A_39 = arith.constant 1 : i32
    %add3A_40 = arith.addi %mul3A_38, %add3A_39 : i32
    "tpu.region"() ({
      %run_scoped3A = tpu.sem_alloc : memref<!tpu.dma_semaphore, #tpu.memory_space<semaphore_mem>>
      %dma_start3A = arith.constant 0 : i32
      %dma_start3A_55 = tpu.memref_slice %arg2[%add3A_40, %dma_start3A] : memref<12x4096xf32, #tpu.memory_space<hbm>> -> memref<1x4096xf32, #tpu.memory_space<hbm>>
      %dma_start3A_56 = tpu.memref_squeeze %dma_start3A_55 : memref<1x4096xf32, #tpu.memory_space<hbm>> -> memref<4096xf32, #tpu.memory_space<hbm>>
      %dma_start3A_57 = arith.constant 0 : i32
      %dma_start3A_58 = tpu.memref_slice %arg2[%add3A_40, %dma_start3A_57] : memref<12x4096xf32, #tpu.memory_space<hbm>> -> memref<1x4096xf32, #tpu.memory_space<hbm>>
      %dma_start3A_59 = tpu.memref_squeeze %dma_start3A_58 : memref<1x4096xf32, #tpu.memory_space<hbm>> -> memref<4096xf32, #tpu.memory_space<hbm>>
      tpu.enqueue_dma source(%dma_start3A_59 : memref<4096xf32, #tpu.memory_space<hbm>>) target(%arg5 : memref<4096xf32, #tpu.memory_space<vmem>>) target_semaphore(%run_scoped3A : memref<!tpu.dma_semaphore, #tpu.memory_space<semaphore_mem>>)
      %dma_wait3A = arith.constant 0 : i32
      %dma_wait3A_60 = tpu.memref_slice %arg2[%add3A_40, %dma_wait3A] : memref<12x4096xf32, #tpu.memory_space<hbm>> -> memref<1x4096xf32, #tpu.memory_space<hbm>>
      %dma_wait3A_61 = tpu.memref_squeeze %dma_wait3A_60 : memref<1x4096xf32, #tpu.memory_space<hbm>> -> memref<4096xf32, #tpu.memory_space<hbm>>
      %dma_wait3A_62 = arith.constant 0 : i32
      %dma_wait3A_63 = tpu.memref_slice %arg2[%add3A_40, %dma_wait3A_62] : memref<12x4096xf32, #tpu.memory_space<hbm>> -> memref<1x4096xf32, #tpu.memory_space<hbm>>
      %dma_wait3A_64 = tpu.memref_squeeze %dma_wait3A_63 : memref<1x4096xf32, #tpu.memory_space<hbm>> -> memref<4096xf32, #tpu.memory_space<hbm>>
      tpu.wait_dma2 semaphore(%run_scoped3A : memref<!tpu.dma_semaphore, #tpu.memory_space<semaphore_mem>>) src(%dma_wait3A_64 : memref<4096xf32, #tpu.memory_space<hbm>>) dst(%arg5 : memref<4096xf32, #tpu.memory_space<vmem>>)
      tpu.yield
    }) : () -> ()
    %mul3A_41 = arith.constant 3 : i32
    %mul3A_42 = arith.muli %select_n3A, %mul3A_41 : i32
    %add3A_43 = arith.constant 2 : i32
    %add3A_44 = arith.addi %mul3A_42, %add3A_43 : i32
    "tpu.region"() ({
      %run_scoped3A = tpu.sem_alloc : memref<!tpu.dma_semaphore, #tpu.memory_space<semaphore_mem>>
      %dma_start3A = arith.constant 0 : i32
      %dma_start3A_55 = tpu.memref_slice %arg2[%add3A_44, %dma_start3A] : memref<12x4096xf32, #tpu.memory_space<hbm>> -> memref<1x4096xf32, #tpu.memory_space<hbm>>
      %dma_start3A_56 = tpu.memref_squeeze %dma_start3A_55 : memref<1x4096xf32, #tpu.memory_space<hbm>> -> memref<4096xf32, #tpu.memory_space<hbm>>
      %dma_start3A_57 = arith.constant 0 : i32
      %dma_start3A_58 = tpu.memref_slice %arg2[%add3A_44, %dma_start3A_57] : memref<12x4096xf32, #tpu.memory_space<hbm>> -> memref<1x4096xf32, #tpu.memory_space<hbm>>
      %dma_start3A_59 = tpu.memref_squeeze %dma_start3A_58 : memref<1x4096xf32, #tpu.memory_space<hbm>> -> memref<4096xf32, #tpu.memory_space<hbm>>
      tpu.enqueue_dma source(%dma_start3A_59 : memref<4096xf32, #tpu.memory_space<hbm>>) target(%arg6 : memref<4096xf32, #tpu.memory_space<vmem>>) target_semaphore(%run_scoped3A : memref<!tpu.dma_semaphore, #tpu.memory_space<semaphore_mem>>)
      %dma_wait3A = arith.constant 0 : i32
      %dma_wait3A_60 = tpu.memref_slice %arg2[%add3A_44, %dma_wait3A] : memref<12x4096xf32, #tpu.memory_space<hbm>> -> memref<1x4096xf32, #tpu.memory_space<hbm>>
      %dma_wait3A_61 = tpu.memref_squeeze %dma_wait3A_60 : memref<1x4096xf32, #tpu.memory_space<hbm>> -> memref<4096xf32, #tpu.memory_space<hbm>>
      %dma_wait3A_62 = arith.constant 0 : i32
      %dma_wait3A_63 = tpu.memref_slice %arg2[%add3A_44, %dma_wait3A_62] : memref<12x4096xf32, #tpu.memory_space<hbm>> -> memref<1x4096xf32, #tpu.memory_space<hbm>>
      %dma_wait3A_64 = tpu.memref_squeeze %dma_wait3A_63 : memref<1x4096xf32, #tpu.memory_space<hbm>> -> memref<4096xf32, #tpu.memory_space<hbm>>
      tpu.wait_dma2 semaphore(%run_scoped3A : memref<!tpu.dma_semaphore, #tpu.memory_space<semaphore_mem>>) src(%dma_wait3A_64 : memref<4096xf32, #tpu.memory_space<hbm>>) dst(%arg6 : memref<4096xf32, #tpu.memory_space<vmem>>)
      tpu.yield
    }) : () -> ()
    %iota3A = tpu.iota {dimensions = array<i32: 0>} : vector<16xi32>
    %broadcast_in_dim3A = arith.constant 0x7F800000 : f32
    %broadcast_in_dim3A_45 = vector.broadcast %broadcast_in_dim3A : f32 to vector<16xf32>
    %broadcast_in_dim3A_46 = arith.constant 0.000000e+00 : f32
    %broadcast_in_dim3A_47 = vector.broadcast %broadcast_in_dim3A_46 : f32 to vector<16xf32>
    %scan3A = arith.constant 0x7F800000 : f32
    %scan3A_48 = arith.constant 0 : i32
    %scan3A_49 = arith.constant 184 : i32
    %scan3A_50 = arith.addi %scan3A_48, %scan3A_49 : i32
    %scan3A_51 = arith.constant 1 : i32
    %scan3A_52 = scf.for %scan3A_55 = %scan3A_48 to %scan3A_50 step %scan3A_51 iter_args(%scan3A_56 = %broadcast_in_dim3A_47) -> (vector<16xf32>)  : i32 {
      %mul3A_57 = arith.constant 2 : i32
      %mul3A_58 = arith.muli %mul3A_57, %scan3A_55 : i32
      %add3A_59 = arith.addi %mul3A_32, %mul3A_58 : i32
      %broadcast_in_dim3A_60 = vector.broadcast %add3A_59 : i32 to vector<16xi32>
      %add3A_61 = arith.constant 1 : i32
      %add3A_62 = vector.broadcast %add3A_61 : i32 to vector<16xi32>
      %add3A_63 = arith.addi %broadcast_in_dim3A_60, %add3A_62 : vector<16xi32>
      %gather3A = tpu.vector_load_idx %arg4[%broadcast_in_dim3A_60] : memref<4096xf32, #tpu.memory_space<vmem>>[vector<16xi32>], vector<16xf32>,
      %gather3A_64 = tpu.vector_load_idx %arg5[%broadcast_in_dim3A_60] : memref<4096xf32, #tpu.memory_space<vmem>>[vector<16xi32>], vector<16xf32>,
      %gather3A_65 = tpu.vector_load_idx %arg6[%broadcast_in_dim3A_60] : memref<4096xf32, #tpu.memory_space<vmem>>[vector<16xi32>], vector<16xf32>,
      %gather3A_66 = tpu.vector_load_idx %arg4[%add3A_63] : memref<4096xf32, #tpu.memory_space<vmem>>[vector<16xi32>], vector<16xf32>,
      %gather3A_67 = tpu.vector_load_idx %arg5[%add3A_63] : memref<4096xf32, #tpu.memory_space<vmem>>[vector<16xi32>], vector<16xf32>,
      %gather3A_68 = tpu.vector_load_idx %arg6[%add3A_63] : memref<4096xf32, #tpu.memory_space<vmem>>[vector<16xi32>], vector<16xf32>,
      %parallel_loop3A = arith.constant 0 : i32
      %parallel_loop3A_69 = arith.constant 128 : i32
      %parallel_loop3A_70 = arith.constant 1 : i32
      %parallel_loop3A_71:4 = scf.for %parallel_loop3A_243 = %parallel_loop3A to %parallel_loop3A_69 step %parallel_loop3A_70 iter_args(%parallel_loop3A_244 = %broadcast_in_dim3A_45, %parallel_loop3A_245 = %broadcast_in_dim3A_45, %parallel_loop3A_246 = %broadcast_in_dim3A_45, %parallel_loop3A_247 = %broadcast_in_dim3A_45) -> (vector<16xf32>, vector<16xf32>, vector<16xf32>, vector<16xf32>)  : i32 {
        %parallel_loop3A_248 = arith.constant 32 : i32
        %parallel_loop3A_249 = arith.muli %parallel_loop3A_243, %parallel_loop3A_248 : i32
        %parallel_loop3A_250 = arith.constant 32 : i32
        %parallel_loop3A_251 = arith.muli %parallel_loop3A_243, %parallel_loop3A_250 : i32
        %parallel_loop3A_252 = arith.constant 16 : i32
        %parallel_loop3A_253 = arith.addi %parallel_loop3A_251, %parallel_loop3A_252 : i32
        %parallel_loop3A_254 = arith.index_cast %parallel_loop3A_249 : i32 to index
        %parallel_loop3A_255 = tpu.vector_load %arg4[%parallel_loop3A_254] {strides = array<i32>} : memref<4096xf32, #tpu.memory_space<vmem>>, vector<16xf32>,
        %parallel_loop3A_256 = arith.index_cast %parallel_loop3A_249 : i32 to index
        %parallel_loop3A_257 = tpu.vector_load %arg5[%parallel_loop3A_256] {strides = array<i32>} : memref<4096xf32, #tpu.memory_space<vmem>>, vector<16xf32>,
        %parallel_loop3A_258 = arith.index_cast %parallel_loop3A_249 : i32 to index
        %parallel_loop3A_259 = tpu.vector_load %arg6[%parallel_loop3A_258] {strides = array<i32>} : memref<4096xf32, #tpu.memory_space<vmem>>, vector<16xf32>,
        %parallel_loop3A_260 = arith.index_cast %parallel_loop3A_253 : i32 to index
        %parallel_loop3A_261 = tpu.vector_load %arg4[%parallel_loop3A_260] {strides = array<i32>} : memref<4096xf32, #tpu.memory_space<vmem>>, vector<16xf32>,
        %parallel_loop3A_262 = arith.index_cast %parallel_loop3A_253 : i32 to index
        %parallel_loop3A_263 = tpu.vector_load %arg5[%parallel_loop3A_262] {strides = array<i32>} : memref<4096xf32, #tpu.memory_space<vmem>>, vector<16xf32>,
        %parallel_loop3A_264 = arith.index_cast %parallel_loop3A_253 : i32 to index
        %parallel_loop3A_265 = tpu.vector_load %arg6[%parallel_loop3A_264] {strides = array<i32>} : memref<4096xf32, #tpu.memory_space<vmem>>, vector<16xf32>,
        %parallel_loop3A_266 = arith.subf %parallel_loop3A_255, %gather3A : vector<16xf32>
        %parallel_loop3A_267 = arith.subf %parallel_loop3A_257, %gather3A_64 : vector<16xf32>
        %parallel_loop3A_268 = arith.subf %parallel_loop3A_259, %gather3A_65 : vector<16xf32>
        %parallel_loop3A_269 = arith.subf %parallel_loop3A_255, %gather3A_66 : vector<16xf32>
        %parallel_loop3A_270 = arith.subf %parallel_loop3A_257, %gather3A_67 : vector<16xf32>
        %parallel_loop3A_271 = arith.subf %parallel_loop3A_259, %gather3A_68 : vector<16xf32>
        %parallel_loop3A_272 = arith.subf %parallel_loop3A_261, %gather3A : vector<16xf32>
        %parallel_loop3A_273 = arith.subf %parallel_loop3A_263, %gather3A_64 : vector<16xf32>
        %parallel_loop3A_274 = arith.subf %parallel_loop3A_265, %gather3A_65 : vector<16xf32>
        %parallel_loop3A_275 = arith.subf %parallel_loop3A_261, %gather3A_66 : vector<16xf32>
        %parallel_loop3A_276 = arith.subf %parallel_loop3A_263, %gather3A_67 : vector<16xf32>
        %parallel_loop3A_277 = arith.subf %parallel_loop3A_265, %gather3A_68 : vector<16xf32>
        %parallel_loop3A_278 = arith.mulf %parallel_loop3A_266, %parallel_loop3A_266 : vector<16xf32>
        %parallel_loop3A_279 = arith.mulf %parallel_loop3A_267, %parallel_loop3A_267 : vector<16xf32>
        %parallel_loop3A_280 = arith.addf %parallel_loop3A_278, %parallel_loop3A_279 : vector<16xf32>
        %parallel_loop3A_281 = arith.mulf %parallel_loop3A_268, %parallel_loop3A_268 : vector<16xf32>
        %parallel_loop3A_282 = arith.addf %parallel_loop3A_280, %parallel_loop3A_281 : vector<16xf32>
        %parallel_loop3A_283 = arith.mulf %parallel_loop3A_269, %parallel_loop3A_269 : vector<16xf32>
        %parallel_loop3A_284 = arith.mulf %parallel_loop3A_270, %parallel_loop3A_270 : vector<16xf32>
        %parallel_loop3A_285 = arith.addf %parallel_loop3A_283, %parallel_loop3A_284 : vector<16xf32>
        %parallel_loop3A_286 = arith.mulf %parallel_loop3A_271, %parallel_loop3A_271 : vector<16xf32>
        %parallel_loop3A_287 = arith.addf %parallel_loop3A_285, %parallel_loop3A_286 : vector<16xf32>
        %parallel_loop3A_288 = arith.mulf %parallel_loop3A_272, %parallel_loop3A_272 : vector<16xf32>
        %parallel_loop3A_289 = arith.mulf %parallel_loop3A_273, %parallel_loop3A_273 : vector<16xf32>
        %parallel_loop3A_290 = arith.addf %parallel_loop3A_288, %parallel_loop3A_289 : vector<16xf32>
        %parallel_loop3A_291 = arith.mulf %parallel_loop3A_274, %parallel_loop3A_274 : vector<16xf32>
        %parallel_loop3A_292 = arith.addf %parallel_loop3A_290, %parallel_loop3A_291 : vector<16xf32>
        %parallel_loop3A_293 = arith.mulf %parallel_loop3A_275, %parallel_loop3A_275 : vector<16xf32>
        %parallel_loop3A_294 = arith.mulf %parallel_loop3A_276, %parallel_loop3A_276 : vector<16xf32>
        %parallel_loop3A_295 = arith.addf %parallel_loop3A_293, %parallel_loop3A_294 : vector<16xf32>
        %parallel_loop3A_296 = arith.mulf %parallel_loop3A_277, %parallel_loop3A_277 : vector<16xf32>
        %parallel_loop3A_297 = arith.addf %parallel_loop3A_295, %parallel_loop3A_296 : vector<16xf32>
        %parallel_loop3A_298 = arith.index_cast %parallel_loop3A_249 : i32 to index
        %parallel_loop3A_299 = tpu.vector_load %arg7[%parallel_loop3A_298] {strides = array<i32>} : memref<4096xf32, #tpu.memory_space<vmem>>, vector<16xf32>,
        tpu.vector_store %arg7[%parallel_loop3A_298], %parallel_loop3A_282 {strides = array<i32>} : memref<4096xf32, #tpu.memory_space<vmem>>, vector<16xf32>,
        %parallel_loop3A_300 = arith.index_cast %parallel_loop3A_253 : i32 to index
        %parallel_loop3A_301 = tpu.vector_load %arg7[%parallel_loop3A_300] {strides = array<i32>} : memref<4096xf32, #tpu.memory_space<vmem>>, vector<16xf32>,
        tpu.vector_store %arg7[%parallel_loop3A_300], %parallel_loop3A_292 {strides = array<i32>} : memref<4096xf32, #tpu.memory_space<vmem>>, vector<16xf32>,
        %parallel_loop3A_302 = arith.index_cast %parallel_loop3A_249 : i32 to index
        %parallel_loop3A_303 = tpu.vector_load %arg8[%parallel_loop3A_302] {strides = array<i32>} : memref<4096xf32, #tpu.memory_space<vmem>>, vector<16xf32>,
        tpu.vector_store %arg8[%parallel_loop3A_302], %parallel_loop3A_287 {strides = array<i32>} : memref<4096xf32, #tpu.memory_space<vmem>>, vector<16xf32>,
        %parallel_loop3A_304 = arith.index_cast %parallel_loop3A_253 : i32 to index
        %parallel_loop3A_305 = tpu.vector_load %arg8[%parallel_loop3A_304] {strides = array<i32>} : memref<4096xf32, #tpu.memory_space<vmem>>, vector<16xf32>,
        tpu.vector_store %arg8[%parallel_loop3A_304], %parallel_loop3A_297 {strides = array<i32>} : memref<4096xf32, #tpu.memory_space<vmem>>, vector<16xf32>,
        %parallel_loop3A_306 = arith.minimumf %parallel_loop3A_244, %parallel_loop3A_282 : vector<16xf32>
        %parallel_loop3A_307 = arith.minimumf %parallel_loop3A_245, %parallel_loop3A_292 : vector<16xf32>
        %parallel_loop3A_308 = arith.minimumf %parallel_loop3A_246, %parallel_loop3A_287 : vector<16xf32>
        %parallel_loop3A_309 = arith.minimumf %parallel_loop3A_247, %parallel_loop3A_297 : vector<16xf32>
        scf.yield %parallel_loop3A_306, %parallel_loop3A_307, %parallel_loop3A_308, %parallel_loop3A_309 : vector<16xf32>, vector<16xf32>, vector<16xf32>, vector<16xf32>
      } {sc.loop_unroll_factor = 2 : i64, sc.parallel_access}
      %min3A = arith.minimumf %parallel_loop3A_71#0, %parallel_loop3A_71#1 : vector<16xf32>
      %reduce_max3A = arith.constant true
      %reduce_max3A_72 = vector.broadcast %reduce_max3A : i1 to vector<16xi1>
      %reduce_max3A_73 = tpu.scan <max>, %min3A masked %reduce_max3A_72 : vector<16xf32>, vector<16xi1> -> vector<16xf32>
      %reduce_max3A_74 = vector.extract %reduce_max3A_73[15] : f32 from vector<16xf32>
      %min3A_75 = arith.minimumf %parallel_loop3A_71#2, %parallel_loop3A_71#3 : vector<16xf32>
      %reduce_max3A_76 = arith.constant true
      %reduce_max3A_77 = vector.broadcast %reduce_max3A_76 : i1 to vector<16xi1>
      %reduce_max3A_78 = tpu.scan <max>, %min3A_75 masked %reduce_max3A_77 : vector<16xf32>, vector<16xi1> -> vector<16xf32>
      %reduce_max3A_79 = vector.extract %reduce_max3A_78[15] : f32 from vector<16xf32>
      %broadcast_in_dim3A_80 = arith.constant 0 : i32
      %broadcast_in_dim3A_81 = vector.broadcast %broadcast_in_dim3A_80 : i32 to vector<16xi32>
      %broadcast_in_dim3A_82 = arith.constant 1 : i32
      %broadcast_in_dim3A_83 = vector.broadcast %broadcast_in_dim3A_82 : i32 to vector<16xi32>
      %parallel_loop3A_84 = arith.constant 0 : i32
      %parallel_loop3A_85 = arith.constant 256 : i32
      %parallel_loop3A_86 = arith.constant 1 : i32
      %parallel_loop3A_87:2 = scf.for %parallel_loop3A_243 = %parallel_loop3A_84 to %parallel_loop3A_85 step %parallel_loop3A_86 iter_args(%parallel_loop3A_244 = %broadcast_in_dim3A_81, %parallel_loop3A_245 = %broadcast_in_dim3A_81) -> (vector<16xi32>, vector<16xi32>)  : i32 {
        %parallel_loop3A_246 = arith.constant 16 : i32
        %parallel_loop3A_247 = arith.muli %parallel_loop3A_243, %parallel_loop3A_246 : i32
        %parallel_loop3A_248 = arith.index_cast %parallel_loop3A_247 : i32 to index
        %parallel_loop3A_249 = tpu.vector_load %arg7[%parallel_loop3A_248] {strides = array<i32>} : memref<4096xf32, #tpu.memory_space<vmem>>, vector<16xf32>,
        %parallel_loop3A_250 = arith.index_cast %parallel_loop3A_247 : i32 to index
        %parallel_loop3A_251 = tpu.vector_load %arg8[%parallel_loop3A_250] {strides = array<i32>} : memref<4096xf32, #tpu.memory_space<vmem>>, vector<16xf32>,
        %parallel_loop3A_252 = vector.broadcast %reduce_max3A_74 : f32 to vector<16xf32>
        %parallel_loop3A_253 = arith.cmpf ole, %parallel_loop3A_249, %parallel_loop3A_252 : vector<16xf32>
        %parallel_loop3A_254 = vector.broadcast %reduce_max3A_79 : f32 to vector<16xf32>
        %parallel_loop3A_255 = arith.cmpf ole, %parallel_loop3A_251, %parallel_loop3A_254 : vector<16xf32>
        %parallel_loop3A_256 = tpu.scan <sum>, %broadcast_in_dim3A_83 masked %parallel_loop3A_253 : vector<16xi32>, vector<16xi1> -> vector<16xi32>
        %parallel_loop3A_257 = arith.addi %parallel_loop3A_256, %parallel_loop3A_244 : vector<16xi32>
        %parallel_loop3A_258 = tpu.scan <sum>, %broadcast_in_dim3A_83 masked %parallel_loop3A_255 : vector<16xi32>, vector<16xi1> -> vector<16xi32>
        %parallel_loop3A_259 = arith.addi %parallel_loop3A_258, %parallel_loop3A_245 : vector<16xi32>
        tpu.vector_store_idx %arg9[%parallel_loop3A_257], %parallel_loop3A_249 masked %parallel_loop3A_253 : memref<4128xf32, #tpu.memory_space<vmem>>[vector<16xi32>], vector<16xf32>, vector<16xi1>
        tpu.vector_store_idx %arg10[%parallel_loop3A_259], %parallel_loop3A_251 masked %parallel_loop3A_255 : memref<4128xf32, #tpu.memory_space<vmem>>[vector<16xi32>], vector<16xf32>, vector<16xi1>
        %parallel_loop3A_260 = tpu.all_reduce %parallel_loop3A_253 {dim = 0 : i64, kind = #tpu.reduction_kind<sum>} : vector<16xi1> -> vector<16xi32>
        %parallel_loop3A_261 = arith.addi %parallel_loop3A_244, %parallel_loop3A_260 : vector<16xi32>
        %parallel_loop3A_262 = tpu.all_reduce %parallel_loop3A_255 {dim = 0 : i64, kind = #tpu.reduction_kind<sum>} : vector<16xi1> -> vector<16xi32>
        %parallel_loop3A_263 = arith.addi %parallel_loop3A_245, %parallel_loop3A_262 : vector<16xi32>
        scf.yield %parallel_loop3A_261, %parallel_loop3A_263 : vector<16xi32>, vector<16xi32>
      } {sc.loop_unroll_factor = 2 : i64, sc.parallel_access}
      %reduce_max3A_88 = arith.constant true
      %reduce_max3A_89 = vector.broadcast %reduce_max3A_88 : i1 to vector<16xi1>
      %reduce_max3A_90 = arith.constant -2147483648 : i32
      %reduce_max3A_91 = vector.broadcast %reduce_max3A_90 : i32 to vector<16xi32>
      %reduce_max3A_92 = arith.xori %parallel_loop3A_87#0, %reduce_max3A_91 : vector<16xi32>
      %reduce_max3A_93 = tpu.scan <max>, %reduce_max3A_92 masked %reduce_max3A_89 : vector<16xi32>, vector<16xi1> -> vector<16xi32>
      %reduce_max3A_94 = arith.xori %reduce_max3A_93, %reduce_max3A_91 : vector<16xi32>
      %reduce_max3A_95 = vector.extract %reduce_max3A_94[15] : i32 from vector<16xi32>
      %reduce_max3A_96 = arith.constant true
      %reduce_max3A_97 = vector.broadcast %reduce_max3A_96 : i1 to vector<16xi1>
      %reduce_max3A_98 = arith.constant -2147483648 : i32
      %reduce_max3A_99 = vector.broadcast %reduce_max3A_98 : i32 to vector<16xi32>
      %reduce_max3A_100 = arith.xori %parallel_loop3A_87#1, %reduce_max3A_99 : vector<16xi32>
      %reduce_max3A_101 = tpu.scan <max>, %reduce_max3A_100 masked %reduce_max3A_97 : vector<16xi32>, vector<16xi1> -> vector<16xi32>
      %reduce_max3A_102 = arith.xori %reduce_max3A_101, %reduce_max3A_99 : vector<16xi32>
      %reduce_max3A_103 = vector.extract %reduce_max3A_102[15] : i32 from vector<16xi32>
      %get3A = arith.constant 1 : index
      %get3A_104 = tpu.vector_load %arg9[%get3A] {strides = array<i32>} : memref<4128xf32, #tpu.memory_space<vmem>>, vector<16xf32>,
      %sort3A = arith.constant dense<true> : vector<16xi1>
      %sort3A_105, %sort3A_106, %sort3A_107 = tpu.sort %get3A_104, %get3A_104 masked %sort3A : (vector<16xf32>, vector<16xf32>, vector<16xi1>) -> (vector<16xi1>, vector<16xf32>, vector<16xf32>)
      %sub3A_108 = arith.constant 16 : i32
      %sub3A_109 = arith.subi %reduce_max3A_95, %sub3A_108 : i32
      %add3A_110 = arith.constant 15 : i32
      %add3A_111 = arith.addi %sub3A_109, %add3A_110 : i32
      %jit3A_112 = arith.constant 16 : i32
      %div3A_113 = arith.divsi %add3A_111, %jit3A_112 : i32
      %sign3A_114 = arith.constant 0 : i32
      %sign3A_115 = arith.cmpi sgt, %add3A_111, %sign3A_114 : i32
      %sign3A_116 = arith.extui %sign3A_115 : i1 to i32
      %sign3A_117 = arith.constant 0 : i32
      %sign3A_118 = arith.cmpi slt, %add3A_111, %sign3A_117 : i32
      %sign3A_119 = arith.extui %sign3A_118 : i1 to i32
      %sign3A_120 = arith.subi %sign3A_116, %sign3A_119 : i32
      %sign3A_121 = arith.constant 0 : i32
      %sign3A_122 = arith.cmpi sgt, %jit3A_112, %sign3A_121 : i32
      %sign3A_123 = arith.extui %sign3A_122 : i1 to i32
      %sign3A_124 = arith.constant 0 : i32
      %sign3A_125 = arith.cmpi slt, %jit3A_112, %sign3A_124 : i32
      %sign3A_126 = arith.extui %sign3A_125 : i1 to i32
      %sign3A_127 = arith.subi %sign3A_123, %sign3A_126 : i32
      %ne3A_128 = arith.cmpi ne, %sign3A_120, %sign3A_127 : i32
      %rem3A_129 = arith.remsi %add3A_111, %jit3A_112 : i32
      %ne3A_130 = arith.constant 0 : i32
      %ne3A_131 = arith.cmpi ne, %rem3A_129, %ne3A_130 : i32
      %and3A_132 = arith.andi %ne3A_128, %ne3A_131 : i1
      %sub3A_133 = arith.constant 1 : i32
      %sub3A_134 = arith.subi %div3A_113, %sub3A_133 : i32
      %select_n3A_135 = arith.select %and3A_132, %sub3A_134, %div3A_113 : i32
      %while3A = arith.constant 0 : i32
      %while3A_136 = arith.subi %select_n3A_135, %while3A : i32
      %while3A_137 = arith.addi %while3A, %while3A_136 : i32
      %while3A_138 = arith.constant 1 : i32
      %while3A_139 = arith.divsi %while3A_136, %while3A_138 : i32
      %while3A_140 = arith.muli %while3A_139, %while3A_138 : i32
      %while3A_141 = arith.addi %while3A, %while3A_140 : i32
      %while3A_142 = arith.constant 1 : i32
      %while3A_143 = scf.for %while3A_243 = %while3A to %while3A_141 step %while3A_142 iter_args(%while3A_244 = %sort3A_106) -> (vector<16xf32>)  : i32 {
        %mul3A_245 = arith.constant 16 : i32
        %mul3A_246 = arith.muli %while3A_243, %mul3A_245 : i32
        %add3A_247 = arith.constant 17 : i32
        %add3A_248 = arith.addi %add3A_247, %mul3A_246 : i32
        %get3A_249 = arith.index_cast %add3A_248 : i32 to index
        %get3A_250 = tpu.vector_load %arg9[%get3A_249] {strides = array<i32>} : memref<4128xf32, #tpu.memory_space<vmem>>, vector<16xf32>,
        %sub3A_251 = arith.constant 1 : i32
        %sub3A_252 = arith.subi %add3A_248, %sub3A_251 : i32
        %add3A_253 = vector.broadcast %sub3A_252 : i32 to vector<16xi32>
        %add3A_254 = arith.addi %add3A_253, %iota3A : vector<16xi32>
        %lt3A_255 = vector.broadcast %reduce_max3A_95 : i32 to vector<16xi32>
        %lt3A_256 = arith.cmpi slt, %add3A_254, %lt3A_255 : vector<16xi32>
        %broadcast_in_dim3A_257 = vector.broadcast %scan3A : f32 to vector<16xf32>
        %select_n3A_258 = arith.select %lt3A_256, %get3A_250, %broadcast_in_dim3A_257 : vector<16xi1>, vector<16xf32>
        %sort3A_259 = arith.constant dense<true> : vector<16xi1>
        %sort3A_260, %sort3A_261, %sort3A_262 = tpu.sort %select_n3A_258, %select_n3A_258 masked %sort3A_259 : (vector<16xf32>, vector<16xf32>, vector<16xi1>) -> (vector<16xi1>, vector<16xf32>, vector<16xf32>)
        %rev3A = arith.constant 15 : i32
        %rev3A_263 = vector.broadcast %rev3A : i32 to vector<16xi32>
        %rev3A_264 = tpu.iota {dimensions = array<i32: 0>} : vector<16xi32>
        %rev3A_265 = arith.subi %rev3A_263, %rev3A_264 : vector<16xi32>
        %rev3A_266 = tpu.dynamic_gather %sort3A_261[%rev3A_265] in [0] : vector<16xf32>, vector<16xi32> -> vector<16xf32>
        %min3A_267 = arith.minimumf %while3A_244, %rev3A_266 : vector<16xf32>
        %sort3A_268 = arith.constant dense<true> : vector<16xi1>
        %sort3A_269, %sort3A_270, %sort3A_271 = tpu.sort %min3A_267, %min3A_267 masked %sort3A_268 : (vector<16xf32>, vector<16xf32>, vector<16xi1>) -> (vector<16xi1>, vector<16xf32>, vector<16xf32>)
        scf.yield %sort3A_270 : vector<16xf32>
      }
      %while3A_144 = arith.constant 1 : i32
      %while3A_145 = scf.for %while3A_243 = %while3A_141 to %while3A_137 step %while3A_144 iter_args(%while3A_244 = %while3A_143) -> (vector<16xf32>)  : i32 {
        %mul3A_245 = arith.constant 16 : i32
        %mul3A_246 = arith.muli %while3A_243, %mul3A_245 : i32
        %add3A_247 = arith.constant 17 : i32
        %add3A_248 = arith.addi %add3A_247, %mul3A_246 : i32
        %get3A_249 = arith.index_cast %add3A_248 : i32 to index
        %get3A_250 = tpu.vector_load %arg9[%get3A_249] {strides = array<i32>} : memref<4128xf32, #tpu.memory_space<vmem>>, vector<16xf32>,
        %sub3A_251 = arith.constant 1 : i32
        %sub3A_252 = arith.subi %add3A_248, %sub3A_251 : i32
        %add3A_253 = vector.broadcast %sub3A_252 : i32 to vector<16xi32>
        %add3A_254 = arith.addi %add3A_253, %iota3A : vector<16xi32>
        %lt3A_255 = vector.broadcast %reduce_max3A_95 : i32 to vector<16xi32>
        %lt3A_256 = arith.cmpi slt, %add3A_254, %lt3A_255 : vector<16xi32>
        %broadcast_in_dim3A_257 = vector.broadcast %scan3A : f32 to vector<16xf32>
        %select_n3A_258 = arith.select %lt3A_256, %get3A_250, %broadcast_in_dim3A_257 : vector<16xi1>, vector<16xf32>
        %sort3A_259 = arith.constant dense<true> : vector<16xi1>
        %sort3A_260, %sort3A_261, %sort3A_262 = tpu.sort %select_n3A_258, %select_n3A_258 masked %sort3A_259 : (vector<16xf32>, vector<16xf32>, vector<16xi1>) -> (vector<16xi1>, vector<16xf32>, vector<16xf32>)
        %rev3A = arith.constant 15 : i32
        %rev3A_263 = vector.broadcast %rev3A : i32 to vector<16xi32>
        %rev3A_264 = tpu.iota {dimensions = array<i32: 0>} : vector<16xi32>
        %rev3A_265 = arith.subi %rev3A_263, %rev3A_264 : vector<16xi32>
        %rev3A_266 = tpu.dynamic_gather %sort3A_261[%rev3A_265] in [0] : vector<16xf32>, vector<16xi32> -> vector<16xf32>
        %min3A_267 = arith.minimumf %while3A_244, %rev3A_266 : vector<16xf32>
        %sort3A_268 = arith.constant dense<true> : vector<16xi1>
        %sort3A_269, %sort3A_270, %sort3A_271 = tpu.sort %min3A_267, %min3A_267 masked %sort3A_268 : (vector<16xf32>, vector<16xf32>, vector<16xi1>) -> (vector<16xi1>, vector<16xf32>, vector<16xf32>)
        scf.yield %sort3A_270 : vector<16xf32>
      }
      %add3A_146 = arith.constant 9.99999996E-13 : f32
      %add3A_147 = vector.broadcast %add3A_146 : f32 to vector<16xf32>
      %add3A_148 = arith.addf %while3A_145, %add3A_147 : vector<16xf32>
      %bitcast_convert_type3A = tpu.bitcast %add3A_148 : vector<16xf32> -> vector<16xi32>
      %shift_right_arithmetic3A = arith.constant 1 : i32
      %shift_right_arithmetic3A_149 = vector.broadcast %shift_right_arithmetic3A : i32 to vector<16xi32>
      %shift_right_arithmetic3A_150 = arith.shrsi %bitcast_convert_type3A, %shift_right_arithmetic3A_149 : vector<16xi32>
      %add3A_151 = arith.constant 532487669 : i32
      %add3A_152 = vector.broadcast %add3A_151 : i32 to vector<16xi32>
      %add3A_153 = arith.addi %shift_right_arithmetic3A_150, %add3A_152 : vector<16xi32>
      %bitcast_convert_type3A_154 = tpu.bitcast %add3A_153 : vector<16xi32> -> vector<16xf32>
      %div3A_155 = arith.divf %add3A_148, %bitcast_convert_type3A_154 : vector<16xf32>
      %add3A_156 = arith.addf %bitcast_convert_type3A_154, %div3A_155 : vector<16xf32>
      %mul3A_157 = arith.constant 5.000000e-01 : f32
      %mul3A_158 = vector.broadcast %mul3A_157 : f32 to vector<16xf32>
      %mul3A_159 = arith.mulf %mul3A_158, %add3A_156 : vector<16xf32>
      %div3A_160 = arith.divf %add3A_148, %mul3A_159 : vector<16xf32>
      %add3A_161 = arith.addf %mul3A_159, %div3A_160 : vector<16xf32>
      %mul3A_162 = arith.constant 5.000000e-01 : f32
      %mul3A_163 = vector.broadcast %mul3A_162 : f32 to vector<16xf32>
      %mul3A_164 = arith.mulf %mul3A_163, %add3A_161 : vector<16xf32>
      %div3A_165 = arith.divf %add3A_148, %mul3A_164 : vector<16xf32>
      %add3A_166 = arith.addf %mul3A_164, %div3A_165 : vector<16xf32>
      %mul3A_167 = arith.constant 5.000000e-01 : f32
      %mul3A_168 = vector.broadcast %mul3A_167 : f32 to vector<16xf32>
      %mul3A_169 = arith.mulf %mul3A_168, %add3A_166 : vector<16xf32>
      %add3A_170 = arith.addf %scan3A_56, %mul3A_169 : vector<16xf32>
      %get3A_171 = arith.constant 1 : index
      %get3A_172 = tpu.vector_load %arg10[%get3A_171] {strides = array<i32>} : memref<4128xf32, #tpu.memory_space<vmem>>, vector<16xf32>,
      %sort3A_173 = arith.constant dense<true> : vector<16xi1>
      %sort3A_174, %sort3A_175, %sort3A_176 = tpu.sort %get3A_172, %get3A_172 masked %sort3A_173 : (vector<16xf32>, vector<16xf32>, vector<16xi1>) -> (vector<16xi1>, vector<16xf32>, vector<16xf32>)
      %sub3A_177 = arith.constant 16 : i32
      %sub3A_178 = arith.subi %reduce_max3A_103, %sub3A_177 : i32
      %add3A_179 = arith.constant 15 : i32
      %add3A_180 = arith.addi %sub3A_178, %add3A_179 : i32
      %jit3A_181 = arith.constant 16 : i32
      %div3A_182 = arith.divsi %add3A_180, %jit3A_181 : i32
      %sign3A_183 = arith.constant 0 : i32
      %sign3A_184 = arith.cmpi sgt, %add3A_180, %sign3A_183 : i32
      %sign3A_185 = arith.extui %sign3A_184 : i1 to i32
      %sign3A_186 = arith.constant 0 : i32
      %sign3A_187 = arith.cmpi slt, %add3A_180, %sign3A_186 : i32
      %sign3A_188 = arith.extui %sign3A_187 : i1 to i32
      %sign3A_189 = arith.subi %sign3A_185, %sign3A_188 : i32
      %sign3A_190 = arith.constant 0 : i32
      %sign3A_191 = arith.cmpi sgt, %jit3A_181, %sign3A_190 : i32
      %sign3A_192 = arith.extui %sign3A_191 : i1 to i32
      %sign3A_193 = arith.constant 0 : i32
      %sign3A_194 = arith.cmpi slt, %jit3A_181, %sign3A_193 : i32
      %sign3A_195 = arith.extui %sign3A_194 : i1 to i32
      %sign3A_196 = arith.subi %sign3A_192, %sign3A_195 : i32
      %ne3A_197 = arith.cmpi ne, %sign3A_189, %sign3A_196 : i32
      %rem3A_198 = arith.remsi %add3A_180, %jit3A_181 : i32
      %ne3A_199 = arith.constant 0 : i32
      %ne3A_200 = arith.cmpi ne, %rem3A_198, %ne3A_199 : i32
      %and3A_201 = arith.andi %ne3A_197, %ne3A_200 : i1
      %sub3A_202 = arith.constant 1 : i32
      %sub3A_203 = arith.subi %div3A_182, %sub3A_202 : i32
      %select_n3A_204 = arith.select %and3A_201, %sub3A_203, %div3A_182 : i32
      %while3A_205 = arith.constant 0 : i32
      %while3A_206 = arith.subi %select_n3A_204, %while3A_205 : i32
      %while3A_207 = arith.addi %while3A_205, %while3A_206 : i32
      %while3A_208 = arith.constant 1 : i32
      %while3A_209 = arith.divsi %while3A_206, %while3A_208 : i32
      %while3A_210 = arith.muli %while3A_209, %while3A_208 : i32
      %while3A_211 = arith.addi %while3A_205, %while3A_210 : i32
      %while3A_212 = arith.constant 1 : i32
      %while3A_213 = scf.for %while3A_243 = %while3A_205 to %while3A_211 step %while3A_212 iter_args(%while3A_244 = %sort3A_175) -> (vector<16xf32>)  : i32 {
        %mul3A_245 = arith.constant 16 : i32
        %mul3A_246 = arith.muli %while3A_243, %mul3A_245 : i32
        %add3A_247 = arith.constant 17 : i32
        %add3A_248 = arith.addi %add3A_247, %mul3A_246 : i32
        %get3A_249 = arith.index_cast %add3A_248 : i32 to index
        %get3A_250 = tpu.vector_load %arg10[%get3A_249] {strides = array<i32>} : memref<4128xf32, #tpu.memory_space<vmem>>, vector<16xf32>,
        %sub3A_251 = arith.constant 1 : i32
        %sub3A_252 = arith.subi %add3A_248, %sub3A_251 : i32
        %add3A_253 = vector.broadcast %sub3A_252 : i32 to vector<16xi32>
        %add3A_254 = arith.addi %add3A_253, %iota3A : vector<16xi32>
        %lt3A_255 = vector.broadcast %reduce_max3A_103 : i32 to vector<16xi32>
        %lt3A_256 = arith.cmpi slt, %add3A_254, %lt3A_255 : vector<16xi32>
        %broadcast_in_dim3A_257 = vector.broadcast %scan3A : f32 to vector<16xf32>
        %select_n3A_258 = arith.select %lt3A_256, %get3A_250, %broadcast_in_dim3A_257 : vector<16xi1>, vector<16xf32>
        %sort3A_259 = arith.constant dense<true> : vector<16xi1>
        %sort3A_260, %sort3A_261, %sort3A_262 = tpu.sort %select_n3A_258, %select_n3A_258 masked %sort3A_259 : (vector<16xf32>, vector<16xf32>, vector<16xi1>) -> (vector<16xi1>, vector<16xf32>, vector<16xf32>)
        %rev3A = arith.constant 15 : i32
        %rev3A_263 = vector.broadcast %rev3A : i32 to vector<16xi32>
        %rev3A_264 = tpu.iota {dimensions = array<i32: 0>} : vector<16xi32>
        %rev3A_265 = arith.subi %rev3A_263, %rev3A_264 : vector<16xi32>
        %rev3A_266 = tpu.dynamic_gather %sort3A_261[%rev3A_265] in [0] : vector<16xf32>, vector<16xi32> -> vector<16xf32>
        %min3A_267 = arith.minimumf %while3A_244, %rev3A_266 : vector<16xf32>
        %sort3A_268 = arith.constant dense<true> : vector<16xi1>
        %sort3A_269, %sort3A_270, %sort3A_271 = tpu.sort %min3A_267, %min3A_267 masked %sort3A_268 : (vector<16xf32>, vector<16xf32>, vector<16xi1>) -> (vector<16xi1>, vector<16xf32>, vector<16xf32>)
        scf.yield %sort3A_270 : vector<16xf32>
      }
      %while3A_214 = arith.constant 1 : i32
      %while3A_215 = scf.for %while3A_243 = %while3A_211 to %while3A_207 step %while3A_214 iter_args(%while3A_244 = %while3A_213) -> (vector<16xf32>)  : i32 {
        %mul3A_245 = arith.constant 16 : i32
        %mul3A_246 = arith.muli %while3A_243, %mul3A_245 : i32
        %add3A_247 = arith.constant 17 : i32
        %add3A_248 = arith.addi %add3A_247, %mul3A_246 : i32
        %get3A_249 = arith.index_cast %add3A_248 : i32 to index
        %get3A_250 = tpu.vector_load %arg10[%get3A_249] {strides = array<i32>} : memref<4128xf32, #tpu.memory_space<vmem>>, vector<16xf32>,
        %sub3A_251 = arith.constant 1 : i32
        %sub3A_252 = arith.subi %add3A_248, %sub3A_251 : i32
        %add3A_253 = vector.broadcast %sub3A_252 : i32 to vector<16xi32>
        %add3A_254 = arith.addi %add3A_253, %iota3A : vector<16xi32>
        %lt3A_255 = vector.broadcast %reduce_max3A_103 : i32 to vector<16xi32>
        %lt3A_256 = arith.cmpi slt, %add3A_254, %lt3A_255 : vector<16xi32>
        %broadcast_in_dim3A_257 = vector.broadcast %scan3A : f32 to vector<16xf32>
        %select_n3A_258 = arith.select %lt3A_256, %get3A_250, %broadcast_in_dim3A_257 : vector<16xi1>, vector<16xf32>
        %sort3A_259 = arith.constant dense<true> : vector<16xi1>
        %sort3A_260, %sort3A_261, %sort3A_262 = tpu.sort %select_n3A_258, %select_n3A_258 masked %sort3A_259 : (vector<16xf32>, vector<16xf32>, vector<16xi1>) -> (vector<16xi1>, vector<16xf32>, vector<16xf32>)
        %rev3A = arith.constant 15 : i32
        %rev3A_263 = vector.broadcast %rev3A : i32 to vector<16xi32>
        %rev3A_264 = tpu.iota {dimensions = array<i32: 0>} : vector<16xi32>
        %rev3A_265 = arith.subi %rev3A_263, %rev3A_264 : vector<16xi32>
        %rev3A_266 = tpu.dynamic_gather %sort3A_261[%rev3A_265] in [0] : vector<16xf32>, vector<16xi32> -> vector<16xf32>
        %min3A_267 = arith.minimumf %while3A_244, %rev3A_266 : vector<16xf32>
        %sort3A_268 = arith.constant dense<true> : vector<16xi1>
        %sort3A_269, %sort3A_270, %sort3A_271 = tpu.sort %min3A_267, %min3A_267 masked %sort3A_268 : (vector<16xf32>, vector<16xf32>, vector<16xi1>) -> (vector<16xi1>, vector<16xf32>, vector<16xf32>)
        scf.yield %sort3A_270 : vector<16xf32>
      }
      %add3A_216 = arith.constant 9.99999996E-13 : f32
      %add3A_217 = vector.broadcast %add3A_216 : f32 to vector<16xf32>
      %add3A_218 = arith.addf %while3A_215, %add3A_217 : vector<16xf32>
      %bitcast_convert_type3A_219 = tpu.bitcast %add3A_218 : vector<16xf32> -> vector<16xi32>
      %shift_right_arithmetic3A_220 = arith.constant 1 : i32
      %shift_right_arithmetic3A_221 = vector.broadcast %shift_right_arithmetic3A_220 : i32 to vector<16xi32>
      %shift_right_arithmetic3A_222 = arith.shrsi %bitcast_convert_type3A_219, %shift_right_arithmetic3A_221 : vector<16xi32>
      %add3A_223 = arith.constant 532487669 : i32
      %add3A_224 = vector.broadcast %add3A_223 : i32 to vector<16xi32>
      %add3A_225 = arith.addi %shift_right_arithmetic3A_222, %add3A_224 : vector<16xi32>
      %bitcast_convert_type3A_226 = tpu.bitcast %add3A_225 : vector<16xi32> -> vector<16xf32>
      %div3A_227 = arith.divf %add3A_218, %bitcast_convert_type3A_226 : vector<16xf32>
      %add3A_228 = arith.addf %bitcast_convert_type3A_226, %div3A_227 : vector<16xf32>
      %mul3A_229 = arith.constant 5.000000e-01 : f32
      %mul3A_230 = vector.broadcast %mul3A_229 : f32 to vector<16xf32>
      %mul3A_231 = arith.mulf %mul3A_230, %add3A_228 : vector<16xf32>
      %div3A_232 = arith.divf %add3A_218, %mul3A_231 : vector<16xf32>
      %add3A_233 = arith.addf %mul3A_231, %div3A_232 : vector<16xf32>
      %mul3A_234 = arith.constant 5.000000e-01 : f32
      %mul3A_235 = vector.broadcast %mul3A_234 : f32 to vector<16xf32>
      %mul3A_236 = arith.mulf %mul3A_235, %add3A_233 : vector<16xf32>
      %div3A_237 = arith.divf %add3A_218, %mul3A_236 : vector<16xf32>
      %add3A_238 = arith.addf %mul3A_236, %div3A_237 : vector<16xf32>
      %mul3A_239 = arith.constant 5.000000e-01 : f32
      %mul3A_240 = vector.broadcast %mul3A_239 : f32 to vector<16xf32>
      %mul3A_241 = arith.mulf %mul3A_240, %add3A_238 : vector<16xf32>
      %add3A_242 = arith.addf %add3A_170, %mul3A_241 : vector<16xf32>
      scf.yield %add3A_242 : vector<16xf32>
    }
    %scan3A_53 = arith.constant 184 : i32
    %swap3A = arith.constant 0 : index
    %swap3A_54 = tpu.vector_load %arg11[%swap3A] {strides = array<i32>} : memref<16xf32, #tpu.memory_space<vmem>>, vector<16xf32>,
    tpu.vector_store %arg11[%swap3A], %scan3A_52 {strides = array<i32>} : memref<16xf32, #tpu.memory_space<vmem>>, vector<16xf32>,
    "tpu.region"() ({
      %run_scoped3A = tpu.sem_alloc : memref<!tpu.dma_semaphore, #tpu.memory_space<semaphore_mem>>
      %dma_start3A = arith.constant 0 : i32
      %dma_start3A_55 = tpu.memref_slice %arg3[%add3A, %dma_start3A] : memref<32x16xf32, #tpu.memory_space<hbm>> -> memref<1x16xf32, #tpu.memory_space<hbm>>
      %dma_start3A_56 = tpu.memref_squeeze %dma_start3A_55 : memref<1x16xf32, #tpu.memory_space<hbm>> -> memref<16xf32, #tpu.memory_space<hbm>>
      %dma_start3A_57 = arith.constant 0 : i32
      %dma_start3A_58 = tpu.memref_slice %arg3[%add3A, %dma_start3A_57] : memref<32x16xf32, #tpu.memory_space<hbm>> -> memref<1x16xf32, #tpu.memory_space<hbm>>
      %dma_start3A_59 = tpu.memref_squeeze %dma_start3A_58 : memref<1x16xf32, #tpu.memory_space<hbm>> -> memref<16xf32, #tpu.memory_space<hbm>>
      tpu.enqueue_dma source(%arg11 : memref<16xf32, #tpu.memory_space<vmem>>) target(%dma_start3A_59 : memref<16xf32, #tpu.memory_space<hbm>>) target_semaphore(%run_scoped3A : memref<!tpu.dma_semaphore, #tpu.memory_space<semaphore_mem>>)
      %dma_wait3A = arith.constant 0 : i32
      %dma_wait3A_60 = tpu.memref_slice %arg3[%add3A, %dma_wait3A] : memref<32x16xf32, #tpu.memory_space<hbm>> -> memref<1x16xf32, #tpu.memory_space<hbm>>
      %dma_wait3A_61 = tpu.memref_squeeze %dma_wait3A_60 : memref<1x16xf32, #tpu.memory_space<hbm>> -> memref<16xf32, #tpu.memory_space<hbm>>
      %dma_wait3A_62 = arith.constant 0 : i32
      %dma_wait3A_63 = tpu.memref_slice %arg3[%add3A, %dma_wait3A_62] : memref<32x16xf32, #tpu.memory_space<hbm>> -> memref<1x16xf32, #tpu.memory_space<hbm>>
      %dma_wait3A_64 = tpu.memref_squeeze %dma_wait3A_63 : memref<1x16xf32, #tpu.memory_space<hbm>> -> memref<16xf32, #tpu.memory_space<hbm>>
      tpu.wait_dma2 semaphore(%run_scoped3A : memref<!tpu.dma_semaphore, #tpu.memory_space<semaphore_mem>>) src(%arg11 : memref<16xf32, #tpu.memory_space<vmem>>) dst(%dma_wait3A_64 : memref<16xf32, #tpu.memory_space<hbm>>)
      tpu.yield
    }) : () -> ()
    return
  }
}

module attributes {stable_mosaic.version = 14 : i64} {
  func.func @body(%arg0: i32, %arg1: i32, %arg2: memref<1x128x3xf32, #tpu.memory_space<vmem>>, %arg3: memref<1x3x4096xf32, #tpu.memory_space<vmem>>, %arg4: memref<1x1x1x1xf32, #tpu.memory_space<vmem>>) attributes {dimension_semantics = [#tpu.dimension_semantics<arbitrary>, #tpu.dimension_semantics<arbitrary>], iteration_bounds = array<i64: 4, 9>, scalar_prefetch = 0 : i64, scratch_operands = 0 : i64, tpu.core_type = #tpu.core_type<tc>, window_params = [{transform_indices = @transform_0, window_bounds = array<i64: 1, 128, 3>}, {transform_indices = @transform_1, window_bounds = array<i64: 1, 3, 4096>}, {transform_indices = @transform_2, window_bounds = array<i64: 1, 1, 1, 1>}]} {
    %get3A = arith.constant 0 : index
    %get3A_0 = arith.constant 0 : index
    %get3A_1 = arith.constant 0 : index
    %get3A_2 = vector.load %arg2[%get3A, %get3A_0, %get3A_1] : memref<1x128x3xf32, #tpu.memory_space<vmem>>, vector<1x128x3xf32>
    %get3A_3 = vector.shape_cast %get3A_2 : vector<1x128x3xf32> to vector<128x3xf32>
    %slice3A = vector.extract_strided_slice %get3A_3 {offsets = [0, 0], sizes = [128, 1], strides = [1, 1]} : vector<128x3xf32> to vector<128x1xf32>
    %slice3A_4 = vector.extract_strided_slice %get3A_3 {offsets = [0, 1], sizes = [128, 1], strides = [1, 1]} : vector<128x3xf32> to vector<128x1xf32>
    %slice3A_5 = vector.extract_strided_slice %get3A_3 {offsets = [0, 2], sizes = [128, 1], strides = [1, 1]} : vector<128x3xf32> to vector<128x1xf32>
    %get3A_6 = arith.constant 0 : index
    %get3A_7 = arith.constant 0 : index
    %get3A_8 = arith.constant 0 : index
    %get3A_9 = vector.load %arg3[%get3A_6, %get3A_7, %get3A_8] : memref<1x3x4096xf32, #tpu.memory_space<vmem>>, vector<1x1x4096xf32>
    %get3A_10 = vector.shape_cast %get3A_9 : vector<1x1x4096xf32> to vector<1x4096xf32>
    %get3A_11 = arith.constant 0 : index
    %get3A_12 = arith.constant 1 : index
    %get3A_13 = arith.constant 0 : index
    %get3A_14 = vector.load %arg3[%get3A_11, %get3A_12, %get3A_13] : memref<1x3x4096xf32, #tpu.memory_space<vmem>>, vector<1x1x4096xf32>
    %get3A_15 = vector.shape_cast %get3A_14 : vector<1x1x4096xf32> to vector<1x4096xf32>
    %get3A_16 = arith.constant 0 : index
    %get3A_17 = arith.constant 2 : index
    %get3A_18 = arith.constant 0 : index
    %get3A_19 = vector.load %arg3[%get3A_16, %get3A_17, %get3A_18] : memref<1x3x4096xf32, #tpu.memory_space<vmem>>, vector<1x1x4096xf32>
    %get3A_20 = vector.shape_cast %get3A_19 : vector<1x1x4096xf32> to vector<1x4096xf32>
    %sub3A = vector.broadcast %slice3A : vector<128x1xf32> to vector<128x4096xf32>
    %sub3A_21 = vector.broadcast %get3A_10 : vector<1x4096xf32> to vector<128x4096xf32>
    %sub3A_22 = arith.subf %sub3A, %sub3A_21 : vector<128x4096xf32>
    %sub3A_23 = vector.broadcast %slice3A_4 : vector<128x1xf32> to vector<128x4096xf32>
    %sub3A_24 = vector.broadcast %get3A_15 : vector<1x4096xf32> to vector<128x4096xf32>
    %sub3A_25 = arith.subf %sub3A_23, %sub3A_24 : vector<128x4096xf32>
    %sub3A_26 = vector.broadcast %slice3A_5 : vector<128x1xf32> to vector<128x4096xf32>
    %sub3A_27 = vector.broadcast %get3A_20 : vector<1x4096xf32> to vector<128x4096xf32>
    %sub3A_28 = arith.subf %sub3A_26, %sub3A_27 : vector<128x4096xf32>
    %mul3A = arith.mulf %sub3A_22, %sub3A_22 : vector<128x4096xf32>
    %mul3A_29 = arith.mulf %sub3A_25, %sub3A_25 : vector<128x4096xf32>
    %add3A = arith.addf %mul3A, %mul3A_29 : vector<128x4096xf32>
    %mul3A_30 = arith.mulf %sub3A_28, %sub3A_28 : vector<128x4096xf32>
    %add3A_31 = arith.addf %add3A, %mul3A_30 : vector<128x4096xf32>
    %broadcast_in_dim3A = arith.constant 0.000000e+00 : f32
    %broadcast_in_dim3A_32 = vector.broadcast %broadcast_in_dim3A : f32 to vector<128x1xf32>
    %broadcast_in_dim3A_33 = arith.constant 1.600000e+01 : f32
    %broadcast_in_dim3A_34 = vector.broadcast %broadcast_in_dim3A_33 : f32 to vector<128x1xf32>
    %reduce_min3A = arith.constant dense<0x7F800000> : vector<128xf32>
    %reduce_min3A_35 = vector.multi_reduction <minimumf>, %add3A_31, %reduce_min3A [1] : vector<128x4096xf32> to vector<128xf32>
    %broadcast_in_dim3A_36 = vector.shape_cast %reduce_min3A_35 : vector<128xf32> to vector<128x1xf32>
    %eq3A = vector.broadcast %broadcast_in_dim3A_36 : vector<128x1xf32> to vector<128x4096xf32>
    %eq3A_37 = arith.cmpf oeq, %add3A_31, %eq3A : vector<128x4096xf32>
    %jit3A = arith.constant 1.000000e+00 : f32
    %jit3A_38 = arith.constant 0.000000e+00 : f32
    %broadcast_in_dim3A_39 = vector.broadcast %jit3A : f32 to vector<128x4096xf32>
    %broadcast_in_dim3A_40 = vector.broadcast %jit3A_38 : f32 to vector<128x4096xf32>
    %select_n3A = arith.select %eq3A_37, %broadcast_in_dim3A_39, %broadcast_in_dim3A_40 : vector<128x4096xi1>, vector<128x4096xf32>
    %reduce_sum3A = arith.constant dense<0.000000e+00> : vector<128xf32>
    %reduce_sum3A_41 = vector.multi_reduction <add>, %select_n3A, %reduce_sum3A [1] : vector<128x4096xf32> to vector<128xf32>
    %broadcast_in_dim3A_42 = vector.shape_cast %reduce_sum3A_41 : vector<128xf32> to vector<128x1xf32>
    %min3A = arith.minimumf %broadcast_in_dim3A_42, %broadcast_in_dim3A_34 : vector<128x1xf32>
    %add3A_43 = arith.constant 9.99999996E-13 : f32
    %add3A_44 = vector.broadcast %add3A_43 : f32 to vector<128x1xf32>
    %add3A_45 = arith.addf %broadcast_in_dim3A_36, %add3A_44 : vector<128x1xf32>
    %sqrt3A = math.sqrt %add3A_45 : vector<128x1xf32>
    %mul3A_46 = arith.mulf %min3A, %sqrt3A : vector<128x1xf32>
    %add3A_47 = arith.addf %broadcast_in_dim3A_32, %mul3A_46 : vector<128x1xf32>
    %sub3A_48 = arith.subf %broadcast_in_dim3A_34, %min3A : vector<128x1xf32>
    %jit3A_49 = arith.constant 0x7F800000 : f32
    %broadcast_in_dim3A_50 = vector.broadcast %jit3A_49 : f32 to vector<128x4096xf32>
    %select_n3A_51 = arith.select %eq3A_37, %broadcast_in_dim3A_50, %add3A_31 : vector<128x4096xi1>, vector<128x4096xf32>
    %reduce_min3A_52 = arith.constant dense<0x7F800000> : vector<128xf32>
    %reduce_min3A_53 = vector.multi_reduction <minimumf>, %select_n3A_51, %reduce_min3A_52 [1] : vector<128x4096xf32> to vector<128xf32>
    %broadcast_in_dim3A_54 = vector.shape_cast %reduce_min3A_53 : vector<128xf32> to vector<128x1xf32>
    %eq3A_55 = vector.broadcast %broadcast_in_dim3A_54 : vector<128x1xf32> to vector<128x4096xf32>
    %eq3A_56 = arith.cmpf oeq, %select_n3A_51, %eq3A_55 : vector<128x4096xf32>
    %jit3A_57 = arith.constant 1.000000e+00 : f32
    %jit3A_58 = arith.constant 0.000000e+00 : f32
    %broadcast_in_dim3A_59 = vector.broadcast %jit3A_57 : f32 to vector<128x4096xf32>
    %broadcast_in_dim3A_60 = vector.broadcast %jit3A_58 : f32 to vector<128x4096xf32>
    %select_n3A_61 = arith.select %eq3A_56, %broadcast_in_dim3A_59, %broadcast_in_dim3A_60 : vector<128x4096xi1>, vector<128x4096xf32>
    %reduce_sum3A_62 = arith.constant dense<0.000000e+00> : vector<128xf32>
    %reduce_sum3A_63 = vector.multi_reduction <add>, %select_n3A_61, %reduce_sum3A_62 [1] : vector<128x4096xf32> to vector<128xf32>
    %broadcast_in_dim3A_64 = vector.shape_cast %reduce_sum3A_63 : vector<128xf32> to vector<128x1xf32>
    %min3A_65 = arith.minimumf %broadcast_in_dim3A_64, %sub3A_48 : vector<128x1xf32>
    %add3A_66 = arith.constant 9.99999996E-13 : f32
    %add3A_67 = vector.broadcast %add3A_66 : f32 to vector<128x1xf32>
    %add3A_68 = arith.addf %broadcast_in_dim3A_54, %add3A_67 : vector<128x1xf32>
    %sqrt3A_69 = math.sqrt %add3A_68 : vector<128x1xf32>
    %mul3A_70 = arith.mulf %min3A_65, %sqrt3A_69 : vector<128x1xf32>
    %add3A_71 = arith.addf %add3A_47, %mul3A_70 : vector<128x1xf32>
    %sub3A_72 = arith.subf %sub3A_48, %min3A_65 : vector<128x1xf32>
    %jit3A_73 = arith.constant 0x7F800000 : f32
    %broadcast_in_dim3A_74 = vector.broadcast %jit3A_73 : f32 to vector<128x4096xf32>
    %select_n3A_75 = arith.select %eq3A_56, %broadcast_in_dim3A_74, %select_n3A_51 : vector<128x4096xi1>, vector<128x4096xf32>
    %reduce_min3A_76 = arith.constant dense<0x7F800000> : vector<128xf32>
    %reduce_min3A_77 = vector.multi_reduction <minimumf>, %select_n3A_75, %reduce_min3A_76 [1] : vector<128x4096xf32> to vector<128xf32>
    %broadcast_in_dim3A_78 = vector.shape_cast %reduce_min3A_77 : vector<128xf32> to vector<128x1xf32>
    %eq3A_79 = vector.broadcast %broadcast_in_dim3A_78 : vector<128x1xf32> to vector<128x4096xf32>
    %eq3A_80 = arith.cmpf oeq, %select_n3A_75, %eq3A_79 : vector<128x4096xf32>
    %jit3A_81 = arith.constant 1.000000e+00 : f32
    %jit3A_82 = arith.constant 0.000000e+00 : f32
    %broadcast_in_dim3A_83 = vector.broadcast %jit3A_81 : f32 to vector<128x4096xf32>
    %broadcast_in_dim3A_84 = vector.broadcast %jit3A_82 : f32 to vector<128x4096xf32>
    %select_n3A_85 = arith.select %eq3A_80, %broadcast_in_dim3A_83, %broadcast_in_dim3A_84 : vector<128x4096xi1>, vector<128x4096xf32>
    %reduce_sum3A_86 = arith.constant dense<0.000000e+00> : vector<128xf32>
    %reduce_sum3A_87 = vector.multi_reduction <add>, %select_n3A_85, %reduce_sum3A_86 [1] : vector<128x4096xf32> to vector<128xf32>
    %broadcast_in_dim3A_88 = vector.shape_cast %reduce_sum3A_87 : vector<128xf32> to vector<128x1xf32>
    %min3A_89 = arith.minimumf %broadcast_in_dim3A_88, %sub3A_72 : vector<128x1xf32>
    %add3A_90 = arith.constant 9.99999996E-13 : f32
    %add3A_91 = vector.broadcast %add3A_90 : f32 to vector<128x1xf32>
    %add3A_92 = arith.addf %broadcast_in_dim3A_78, %add3A_91 : vector<128x1xf32>
    %sqrt3A_93 = math.sqrt %add3A_92 : vector<128x1xf32>
    %mul3A_94 = arith.mulf %min3A_89, %sqrt3A_93 : vector<128x1xf32>
    %add3A_95 = arith.addf %add3A_71, %mul3A_94 : vector<128x1xf32>
    %sub3A_96 = arith.subf %sub3A_72, %min3A_89 : vector<128x1xf32>
    %jit3A_97 = arith.constant 0x7F800000 : f32
    %broadcast_in_dim3A_98 = vector.broadcast %jit3A_97 : f32 to vector<128x4096xf32>
    %select_n3A_99 = arith.select %eq3A_80, %broadcast_in_dim3A_98, %select_n3A_75 : vector<128x4096xi1>, vector<128x4096xf32>
    %reduce_min3A_100 = arith.constant dense<0x7F800000> : vector<128xf32>
    %reduce_min3A_101 = vector.multi_reduction <minimumf>, %select_n3A_99, %reduce_min3A_100 [1] : vector<128x4096xf32> to vector<128xf32>
    %broadcast_in_dim3A_102 = vector.shape_cast %reduce_min3A_101 : vector<128xf32> to vector<128x1xf32>
    %eq3A_103 = vector.broadcast %broadcast_in_dim3A_102 : vector<128x1xf32> to vector<128x4096xf32>
    %eq3A_104 = arith.cmpf oeq, %select_n3A_99, %eq3A_103 : vector<128x4096xf32>
    %jit3A_105 = arith.constant 1.000000e+00 : f32
    %jit3A_106 = arith.constant 0.000000e+00 : f32
    %broadcast_in_dim3A_107 = vector.broadcast %jit3A_105 : f32 to vector<128x4096xf32>
    %broadcast_in_dim3A_108 = vector.broadcast %jit3A_106 : f32 to vector<128x4096xf32>
    %select_n3A_109 = arith.select %eq3A_104, %broadcast_in_dim3A_107, %broadcast_in_dim3A_108 : vector<128x4096xi1>, vector<128x4096xf32>
    %reduce_sum3A_110 = arith.constant dense<0.000000e+00> : vector<128xf32>
    %reduce_sum3A_111 = vector.multi_reduction <add>, %select_n3A_109, %reduce_sum3A_110 [1] : vector<128x4096xf32> to vector<128xf32>
    %broadcast_in_dim3A_112 = vector.shape_cast %reduce_sum3A_111 : vector<128xf32> to vector<128x1xf32>
    %min3A_113 = arith.minimumf %broadcast_in_dim3A_112, %sub3A_96 : vector<128x1xf32>
    %add3A_114 = arith.constant 9.99999996E-13 : f32
    %add3A_115 = vector.broadcast %add3A_114 : f32 to vector<128x1xf32>
    %add3A_116 = arith.addf %broadcast_in_dim3A_102, %add3A_115 : vector<128x1xf32>
    %sqrt3A_117 = math.sqrt %add3A_116 : vector<128x1xf32>
    %mul3A_118 = arith.mulf %min3A_113, %sqrt3A_117 : vector<128x1xf32>
    %add3A_119 = arith.addf %add3A_95, %mul3A_118 : vector<128x1xf32>
    %sub3A_120 = arith.subf %sub3A_96, %min3A_113 : vector<128x1xf32>
    %jit3A_121 = arith.constant 0x7F800000 : f32
    %broadcast_in_dim3A_122 = vector.broadcast %jit3A_121 : f32 to vector<128x4096xf32>
    %select_n3A_123 = arith.select %eq3A_104, %broadcast_in_dim3A_122, %select_n3A_99 : vector<128x4096xi1>, vector<128x4096xf32>
    %reduce_min3A_124 = arith.constant dense<0x7F800000> : vector<128xf32>
    %reduce_min3A_125 = vector.multi_reduction <minimumf>, %select_n3A_123, %reduce_min3A_124 [1] : vector<128x4096xf32> to vector<128xf32>
    %broadcast_in_dim3A_126 = vector.shape_cast %reduce_min3A_125 : vector<128xf32> to vector<128x1xf32>
    %eq3A_127 = vector.broadcast %broadcast_in_dim3A_126 : vector<128x1xf32> to vector<128x4096xf32>
    %eq3A_128 = arith.cmpf oeq, %select_n3A_123, %eq3A_127 : vector<128x4096xf32>
    %jit3A_129 = arith.constant 1.000000e+00 : f32
    %jit3A_130 = arith.constant 0.000000e+00 : f32
    %broadcast_in_dim3A_131 = vector.broadcast %jit3A_129 : f32 to vector<128x4096xf32>
    %broadcast_in_dim3A_132 = vector.broadcast %jit3A_130 : f32 to vector<128x4096xf32>
    %select_n3A_133 = arith.select %eq3A_128, %broadcast_in_dim3A_131, %broadcast_in_dim3A_132 : vector<128x4096xi1>, vector<128x4096xf32>
    %reduce_sum3A_134 = arith.constant dense<0.000000e+00> : vector<128xf32>
    %reduce_sum3A_135 = vector.multi_reduction <add>, %select_n3A_133, %reduce_sum3A_134 [1] : vector<128x4096xf32> to vector<128xf32>
    %broadcast_in_dim3A_136 = vector.shape_cast %reduce_sum3A_135 : vector<128xf32> to vector<128x1xf32>
    %min3A_137 = arith.minimumf %broadcast_in_dim3A_136, %sub3A_120 : vector<128x1xf32>
    %add3A_138 = arith.constant 9.99999996E-13 : f32
    %add3A_139 = vector.broadcast %add3A_138 : f32 to vector<128x1xf32>
    %add3A_140 = arith.addf %broadcast_in_dim3A_126, %add3A_139 : vector<128x1xf32>
    %sqrt3A_141 = math.sqrt %add3A_140 : vector<128x1xf32>
    %mul3A_142 = arith.mulf %min3A_137, %sqrt3A_141 : vector<128x1xf32>
    %add3A_143 = arith.addf %add3A_119, %mul3A_142 : vector<128x1xf32>
    %sub3A_144 = arith.subf %sub3A_120, %min3A_137 : vector<128x1xf32>
    %jit3A_145 = arith.constant 0x7F800000 : f32
    %broadcast_in_dim3A_146 = vector.broadcast %jit3A_145 : f32 to vector<128x4096xf32>
    %select_n3A_147 = arith.select %eq3A_128, %broadcast_in_dim3A_146, %select_n3A_123 : vector<128x4096xi1>, vector<128x4096xf32>
    %reduce_min3A_148 = arith.constant dense<0x7F800000> : vector<128xf32>
    %reduce_min3A_149 = vector.multi_reduction <minimumf>, %select_n3A_147, %reduce_min3A_148 [1] : vector<128x4096xf32> to vector<128xf32>
    %broadcast_in_dim3A_150 = vector.shape_cast %reduce_min3A_149 : vector<128xf32> to vector<128x1xf32>
    %eq3A_151 = vector.broadcast %broadcast_in_dim3A_150 : vector<128x1xf32> to vector<128x4096xf32>
    %eq3A_152 = arith.cmpf oeq, %select_n3A_147, %eq3A_151 : vector<128x4096xf32>
    %jit3A_153 = arith.constant 1.000000e+00 : f32
    %jit3A_154 = arith.constant 0.000000e+00 : f32
    %broadcast_in_dim3A_155 = vector.broadcast %jit3A_153 : f32 to vector<128x4096xf32>
    %broadcast_in_dim3A_156 = vector.broadcast %jit3A_154 : f32 to vector<128x4096xf32>
    %select_n3A_157 = arith.select %eq3A_152, %broadcast_in_dim3A_155, %broadcast_in_dim3A_156 : vector<128x4096xi1>, vector<128x4096xf32>
    %reduce_sum3A_158 = arith.constant dense<0.000000e+00> : vector<128xf32>
    %reduce_sum3A_159 = vector.multi_reduction <add>, %select_n3A_157, %reduce_sum3A_158 [1] : vector<128x4096xf32> to vector<128xf32>
    %broadcast_in_dim3A_160 = vector.shape_cast %reduce_sum3A_159 : vector<128xf32> to vector<128x1xf32>
    %min3A_161 = arith.minimumf %broadcast_in_dim3A_160, %sub3A_144 : vector<128x1xf32>
    %add3A_162 = arith.constant 9.99999996E-13 : f32
    %add3A_163 = vector.broadcast %add3A_162 : f32 to vector<128x1xf32>
    %add3A_164 = arith.addf %broadcast_in_dim3A_150, %add3A_163 : vector<128x1xf32>
    %sqrt3A_165 = math.sqrt %add3A_164 : vector<128x1xf32>
    %mul3A_166 = arith.mulf %min3A_161, %sqrt3A_165 : vector<128x1xf32>
    %add3A_167 = arith.addf %add3A_143, %mul3A_166 : vector<128x1xf32>
    %sub3A_168 = arith.subf %sub3A_144, %min3A_161 : vector<128x1xf32>
    %jit3A_169 = arith.constant 0x7F800000 : f32
    %broadcast_in_dim3A_170 = vector.broadcast %jit3A_169 : f32 to vector<128x4096xf32>
    %select_n3A_171 = arith.select %eq3A_152, %broadcast_in_dim3A_170, %select_n3A_147 : vector<128x4096xi1>, vector<128x4096xf32>
    %reduce_min3A_172 = arith.constant dense<0x7F800000> : vector<128xf32>
    %reduce_min3A_173 = vector.multi_reduction <minimumf>, %select_n3A_171, %reduce_min3A_172 [1] : vector<128x4096xf32> to vector<128xf32>
    %broadcast_in_dim3A_174 = vector.shape_cast %reduce_min3A_173 : vector<128xf32> to vector<128x1xf32>
    %eq3A_175 = vector.broadcast %broadcast_in_dim3A_174 : vector<128x1xf32> to vector<128x4096xf32>
    %eq3A_176 = arith.cmpf oeq, %select_n3A_171, %eq3A_175 : vector<128x4096xf32>
    %jit3A_177 = arith.constant 1.000000e+00 : f32
    %jit3A_178 = arith.constant 0.000000e+00 : f32
    %broadcast_in_dim3A_179 = vector.broadcast %jit3A_177 : f32 to vector<128x4096xf32>
    %broadcast_in_dim3A_180 = vector.broadcast %jit3A_178 : f32 to vector<128x4096xf32>
    %select_n3A_181 = arith.select %eq3A_176, %broadcast_in_dim3A_179, %broadcast_in_dim3A_180 : vector<128x4096xi1>, vector<128x4096xf32>
    %reduce_sum3A_182 = arith.constant dense<0.000000e+00> : vector<128xf32>
    %reduce_sum3A_183 = vector.multi_reduction <add>, %select_n3A_181, %reduce_sum3A_182 [1] : vector<128x4096xf32> to vector<128xf32>
    %broadcast_in_dim3A_184 = vector.shape_cast %reduce_sum3A_183 : vector<128xf32> to vector<128x1xf32>
    %min3A_185 = arith.minimumf %broadcast_in_dim3A_184, %sub3A_168 : vector<128x1xf32>
    %add3A_186 = arith.constant 9.99999996E-13 : f32
    %add3A_187 = vector.broadcast %add3A_186 : f32 to vector<128x1xf32>
    %add3A_188 = arith.addf %broadcast_in_dim3A_174, %add3A_187 : vector<128x1xf32>
    %sqrt3A_189 = math.sqrt %add3A_188 : vector<128x1xf32>
    %mul3A_190 = arith.mulf %min3A_185, %sqrt3A_189 : vector<128x1xf32>
    %add3A_191 = arith.addf %add3A_167, %mul3A_190 : vector<128x1xf32>
    %sub3A_192 = arith.subf %sub3A_168, %min3A_185 : vector<128x1xf32>
    %jit3A_193 = arith.constant 0x7F800000 : f32
    %broadcast_in_dim3A_194 = vector.broadcast %jit3A_193 : f32 to vector<128x4096xf32>
    %select_n3A_195 = arith.select %eq3A_176, %broadcast_in_dim3A_194, %select_n3A_171 : vector<128x4096xi1>, vector<128x4096xf32>
    %reduce_min3A_196 = arith.constant dense<0x7F800000> : vector<128xf32>
    %reduce_min3A_197 = vector.multi_reduction <minimumf>, %select_n3A_195, %reduce_min3A_196 [1] : vector<128x4096xf32> to vector<128xf32>
    %broadcast_in_dim3A_198 = vector.shape_cast %reduce_min3A_197 : vector<128xf32> to vector<128x1xf32>
    %eq3A_199 = vector.broadcast %broadcast_in_dim3A_198 : vector<128x1xf32> to vector<128x4096xf32>
    %eq3A_200 = arith.cmpf oeq, %select_n3A_195, %eq3A_199 : vector<128x4096xf32>
    %jit3A_201 = arith.constant 1.000000e+00 : f32
    %jit3A_202 = arith.constant 0.000000e+00 : f32
    %broadcast_in_dim3A_203 = vector.broadcast %jit3A_201 : f32 to vector<128x4096xf32>
    %broadcast_in_dim3A_204 = vector.broadcast %jit3A_202 : f32 to vector<128x4096xf32>
    %select_n3A_205 = arith.select %eq3A_200, %broadcast_in_dim3A_203, %broadcast_in_dim3A_204 : vector<128x4096xi1>, vector<128x4096xf32>
    %reduce_sum3A_206 = arith.constant dense<0.000000e+00> : vector<128xf32>
    %reduce_sum3A_207 = vector.multi_reduction <add>, %select_n3A_205, %reduce_sum3A_206 [1] : vector<128x4096xf32> to vector<128xf32>
    %broadcast_in_dim3A_208 = vector.shape_cast %reduce_sum3A_207 : vector<128xf32> to vector<128x1xf32>
    %min3A_209 = arith.minimumf %broadcast_in_dim3A_208, %sub3A_192 : vector<128x1xf32>
    %add3A_210 = arith.constant 9.99999996E-13 : f32
    %add3A_211 = vector.broadcast %add3A_210 : f32 to vector<128x1xf32>
    %add3A_212 = arith.addf %broadcast_in_dim3A_198, %add3A_211 : vector<128x1xf32>
    %sqrt3A_213 = math.sqrt %add3A_212 : vector<128x1xf32>
    %mul3A_214 = arith.mulf %min3A_209, %sqrt3A_213 : vector<128x1xf32>
    %add3A_215 = arith.addf %add3A_191, %mul3A_214 : vector<128x1xf32>
    %sub3A_216 = arith.subf %sub3A_192, %min3A_209 : vector<128x1xf32>
    %jit3A_217 = arith.constant 0x7F800000 : f32
    %broadcast_in_dim3A_218 = vector.broadcast %jit3A_217 : f32 to vector<128x4096xf32>
    %select_n3A_219 = arith.select %eq3A_200, %broadcast_in_dim3A_218, %select_n3A_195 : vector<128x4096xi1>, vector<128x4096xf32>
    %reduce_min3A_220 = arith.constant dense<0x7F800000> : vector<128xf32>
    %reduce_min3A_221 = vector.multi_reduction <minimumf>, %select_n3A_219, %reduce_min3A_220 [1] : vector<128x4096xf32> to vector<128xf32>
    %broadcast_in_dim3A_222 = vector.shape_cast %reduce_min3A_221 : vector<128xf32> to vector<128x1xf32>
    %eq3A_223 = vector.broadcast %broadcast_in_dim3A_222 : vector<128x1xf32> to vector<128x4096xf32>
    %eq3A_224 = arith.cmpf oeq, %select_n3A_219, %eq3A_223 : vector<128x4096xf32>
    %jit3A_225 = arith.constant 1.000000e+00 : f32
    %jit3A_226 = arith.constant 0.000000e+00 : f32
    %broadcast_in_dim3A_227 = vector.broadcast %jit3A_225 : f32 to vector<128x4096xf32>
    %broadcast_in_dim3A_228 = vector.broadcast %jit3A_226 : f32 to vector<128x4096xf32>
    %select_n3A_229 = arith.select %eq3A_224, %broadcast_in_dim3A_227, %broadcast_in_dim3A_228 : vector<128x4096xi1>, vector<128x4096xf32>
    %reduce_sum3A_230 = arith.constant dense<0.000000e+00> : vector<128xf32>
    %reduce_sum3A_231 = vector.multi_reduction <add>, %select_n3A_229, %reduce_sum3A_230 [1] : vector<128x4096xf32> to vector<128xf32>
    %broadcast_in_dim3A_232 = vector.shape_cast %reduce_sum3A_231 : vector<128xf32> to vector<128x1xf32>
    %min3A_233 = arith.minimumf %broadcast_in_dim3A_232, %sub3A_216 : vector<128x1xf32>
    %add3A_234 = arith.constant 9.99999996E-13 : f32
    %add3A_235 = vector.broadcast %add3A_234 : f32 to vector<128x1xf32>
    %add3A_236 = arith.addf %broadcast_in_dim3A_222, %add3A_235 : vector<128x1xf32>
    %sqrt3A_237 = math.sqrt %add3A_236 : vector<128x1xf32>
    %mul3A_238 = arith.mulf %min3A_233, %sqrt3A_237 : vector<128x1xf32>
    %add3A_239 = arith.addf %add3A_215, %mul3A_238 : vector<128x1xf32>
    %sub3A_240 = arith.subf %sub3A_216, %min3A_233 : vector<128x1xf32>
    %jit3A_241 = arith.constant 0x7F800000 : f32
    %broadcast_in_dim3A_242 = vector.broadcast %jit3A_241 : f32 to vector<128x4096xf32>
    %select_n3A_243 = arith.select %eq3A_224, %broadcast_in_dim3A_242, %select_n3A_219 : vector<128x4096xi1>, vector<128x4096xf32>
    %reduce_min3A_244 = arith.constant dense<0x7F800000> : vector<128xf32>
    %reduce_min3A_245 = vector.multi_reduction <minimumf>, %select_n3A_243, %reduce_min3A_244 [1] : vector<128x4096xf32> to vector<128xf32>
    %broadcast_in_dim3A_246 = vector.shape_cast %reduce_min3A_245 : vector<128xf32> to vector<128x1xf32>
    %eq3A_247 = vector.broadcast %broadcast_in_dim3A_246 : vector<128x1xf32> to vector<128x4096xf32>
    %eq3A_248 = arith.cmpf oeq, %select_n3A_243, %eq3A_247 : vector<128x4096xf32>
    %jit3A_249 = arith.constant 1.000000e+00 : f32
    %jit3A_250 = arith.constant 0.000000e+00 : f32
    %broadcast_in_dim3A_251 = vector.broadcast %jit3A_249 : f32 to vector<128x4096xf32>
    %broadcast_in_dim3A_252 = vector.broadcast %jit3A_250 : f32 to vector<128x4096xf32>
    %select_n3A_253 = arith.select %eq3A_248, %broadcast_in_dim3A_251, %broadcast_in_dim3A_252 : vector<128x4096xi1>, vector<128x4096xf32>
    %reduce_sum3A_254 = arith.constant dense<0.000000e+00> : vector<128xf32>
    %reduce_sum3A_255 = vector.multi_reduction <add>, %select_n3A_253, %reduce_sum3A_254 [1] : vector<128x4096xf32> to vector<128xf32>
    %broadcast_in_dim3A_256 = vector.shape_cast %reduce_sum3A_255 : vector<128xf32> to vector<128x1xf32>
    %min3A_257 = arith.minimumf %broadcast_in_dim3A_256, %sub3A_240 : vector<128x1xf32>
    %add3A_258 = arith.constant 9.99999996E-13 : f32
    %add3A_259 = vector.broadcast %add3A_258 : f32 to vector<128x1xf32>
    %add3A_260 = arith.addf %broadcast_in_dim3A_246, %add3A_259 : vector<128x1xf32>
    %sqrt3A_261 = math.sqrt %add3A_260 : vector<128x1xf32>
    %mul3A_262 = arith.mulf %min3A_257, %sqrt3A_261 : vector<128x1xf32>
    %add3A_263 = arith.addf %add3A_239, %mul3A_262 : vector<128x1xf32>
    %sub3A_264 = arith.subf %sub3A_240, %min3A_257 : vector<128x1xf32>
    %jit3A_265 = arith.constant 0x7F800000 : f32
    %broadcast_in_dim3A_266 = vector.broadcast %jit3A_265 : f32 to vector<128x4096xf32>
    %select_n3A_267 = arith.select %eq3A_248, %broadcast_in_dim3A_266, %select_n3A_243 : vector<128x4096xi1>, vector<128x4096xf32>
    %reduce_min3A_268 = arith.constant dense<0x7F800000> : vector<128xf32>
    %reduce_min3A_269 = vector.multi_reduction <minimumf>, %select_n3A_267, %reduce_min3A_268 [1] : vector<128x4096xf32> to vector<128xf32>
    %broadcast_in_dim3A_270 = vector.shape_cast %reduce_min3A_269 : vector<128xf32> to vector<128x1xf32>
    %eq3A_271 = vector.broadcast %broadcast_in_dim3A_270 : vector<128x1xf32> to vector<128x4096xf32>
    %eq3A_272 = arith.cmpf oeq, %select_n3A_267, %eq3A_271 : vector<128x4096xf32>
    %jit3A_273 = arith.constant 1.000000e+00 : f32
    %jit3A_274 = arith.constant 0.000000e+00 : f32
    %broadcast_in_dim3A_275 = vector.broadcast %jit3A_273 : f32 to vector<128x4096xf32>
    %broadcast_in_dim3A_276 = vector.broadcast %jit3A_274 : f32 to vector<128x4096xf32>
    %select_n3A_277 = arith.select %eq3A_272, %broadcast_in_dim3A_275, %broadcast_in_dim3A_276 : vector<128x4096xi1>, vector<128x4096xf32>
    %reduce_sum3A_278 = arith.constant dense<0.000000e+00> : vector<128xf32>
    %reduce_sum3A_279 = vector.multi_reduction <add>, %select_n3A_277, %reduce_sum3A_278 [1] : vector<128x4096xf32> to vector<128xf32>
    %broadcast_in_dim3A_280 = vector.shape_cast %reduce_sum3A_279 : vector<128xf32> to vector<128x1xf32>
    %min3A_281 = arith.minimumf %broadcast_in_dim3A_280, %sub3A_264 : vector<128x1xf32>
    %add3A_282 = arith.constant 9.99999996E-13 : f32
    %add3A_283 = vector.broadcast %add3A_282 : f32 to vector<128x1xf32>
    %add3A_284 = arith.addf %broadcast_in_dim3A_270, %add3A_283 : vector<128x1xf32>
    %sqrt3A_285 = math.sqrt %add3A_284 : vector<128x1xf32>
    %mul3A_286 = arith.mulf %min3A_281, %sqrt3A_285 : vector<128x1xf32>
    %add3A_287 = arith.addf %add3A_263, %mul3A_286 : vector<128x1xf32>
    %sub3A_288 = arith.subf %sub3A_264, %min3A_281 : vector<128x1xf32>
    %jit3A_289 = arith.constant 0x7F800000 : f32
    %broadcast_in_dim3A_290 = vector.broadcast %jit3A_289 : f32 to vector<128x4096xf32>
    %select_n3A_291 = arith.select %eq3A_272, %broadcast_in_dim3A_290, %select_n3A_267 : vector<128x4096xi1>, vector<128x4096xf32>
    %reduce_min3A_292 = arith.constant dense<0x7F800000> : vector<128xf32>
    %reduce_min3A_293 = vector.multi_reduction <minimumf>, %select_n3A_291, %reduce_min3A_292 [1] : vector<128x4096xf32> to vector<128xf32>
    %broadcast_in_dim3A_294 = vector.shape_cast %reduce_min3A_293 : vector<128xf32> to vector<128x1xf32>
    %eq3A_295 = vector.broadcast %broadcast_in_dim3A_294 : vector<128x1xf32> to vector<128x4096xf32>
    %eq3A_296 = arith.cmpf oeq, %select_n3A_291, %eq3A_295 : vector<128x4096xf32>
    %jit3A_297 = arith.constant 1.000000e+00 : f32
    %jit3A_298 = arith.constant 0.000000e+00 : f32
    %broadcast_in_dim3A_299 = vector.broadcast %jit3A_297 : f32 to vector<128x4096xf32>
    %broadcast_in_dim3A_300 = vector.broadcast %jit3A_298 : f32 to vector<128x4096xf32>
    %select_n3A_301 = arith.select %eq3A_296, %broadcast_in_dim3A_299, %broadcast_in_dim3A_300 : vector<128x4096xi1>, vector<128x4096xf32>
    %reduce_sum3A_302 = arith.constant dense<0.000000e+00> : vector<128xf32>
    %reduce_sum3A_303 = vector.multi_reduction <add>, %select_n3A_301, %reduce_sum3A_302 [1] : vector<128x4096xf32> to vector<128xf32>
    %broadcast_in_dim3A_304 = vector.shape_cast %reduce_sum3A_303 : vector<128xf32> to vector<128x1xf32>
    %min3A_305 = arith.minimumf %broadcast_in_dim3A_304, %sub3A_288 : vector<128x1xf32>
    %add3A_306 = arith.constant 9.99999996E-13 : f32
    %add3A_307 = vector.broadcast %add3A_306 : f32 to vector<128x1xf32>
    %add3A_308 = arith.addf %broadcast_in_dim3A_294, %add3A_307 : vector<128x1xf32>
    %sqrt3A_309 = math.sqrt %add3A_308 : vector<128x1xf32>
    %mul3A_310 = arith.mulf %min3A_305, %sqrt3A_309 : vector<128x1xf32>
    %add3A_311 = arith.addf %add3A_287, %mul3A_310 : vector<128x1xf32>
    %sub3A_312 = arith.subf %sub3A_288, %min3A_305 : vector<128x1xf32>
    %jit3A_313 = arith.constant 0x7F800000 : f32
    %broadcast_in_dim3A_314 = vector.broadcast %jit3A_313 : f32 to vector<128x4096xf32>
    %select_n3A_315 = arith.select %eq3A_296, %broadcast_in_dim3A_314, %select_n3A_291 : vector<128x4096xi1>, vector<128x4096xf32>
    %reduce_min3A_316 = arith.constant dense<0x7F800000> : vector<128xf32>
    %reduce_min3A_317 = vector.multi_reduction <minimumf>, %select_n3A_315, %reduce_min3A_316 [1] : vector<128x4096xf32> to vector<128xf32>
    %broadcast_in_dim3A_318 = vector.shape_cast %reduce_min3A_317 : vector<128xf32> to vector<128x1xf32>
    %eq3A_319 = vector.broadcast %broadcast_in_dim3A_318 : vector<128x1xf32> to vector<128x4096xf32>
    %eq3A_320 = arith.cmpf oeq, %select_n3A_315, %eq3A_319 : vector<128x4096xf32>
    %jit3A_321 = arith.constant 1.000000e+00 : f32
    %jit3A_322 = arith.constant 0.000000e+00 : f32
    %broadcast_in_dim3A_323 = vector.broadcast %jit3A_321 : f32 to vector<128x4096xf32>
    %broadcast_in_dim3A_324 = vector.broadcast %jit3A_322 : f32 to vector<128x4096xf32>
    %select_n3A_325 = arith.select %eq3A_320, %broadcast_in_dim3A_323, %broadcast_in_dim3A_324 : vector<128x4096xi1>, vector<128x4096xf32>
    %reduce_sum3A_326 = arith.constant dense<0.000000e+00> : vector<128xf32>
    %reduce_sum3A_327 = vector.multi_reduction <add>, %select_n3A_325, %reduce_sum3A_326 [1] : vector<128x4096xf32> to vector<128xf32>
    %broadcast_in_dim3A_328 = vector.shape_cast %reduce_sum3A_327 : vector<128xf32> to vector<128x1xf32>
    %min3A_329 = arith.minimumf %broadcast_in_dim3A_328, %sub3A_312 : vector<128x1xf32>
    %add3A_330 = arith.constant 9.99999996E-13 : f32
    %add3A_331 = vector.broadcast %add3A_330 : f32 to vector<128x1xf32>
    %add3A_332 = arith.addf %broadcast_in_dim3A_318, %add3A_331 : vector<128x1xf32>
    %sqrt3A_333 = math.sqrt %add3A_332 : vector<128x1xf32>
    %mul3A_334 = arith.mulf %min3A_329, %sqrt3A_333 : vector<128x1xf32>
    %add3A_335 = arith.addf %add3A_311, %mul3A_334 : vector<128x1xf32>
    %sub3A_336 = arith.subf %sub3A_312, %min3A_329 : vector<128x1xf32>
    %jit3A_337 = arith.constant 0x7F800000 : f32
    %broadcast_in_dim3A_338 = vector.broadcast %jit3A_337 : f32 to vector<128x4096xf32>
    %select_n3A_339 = arith.select %eq3A_320, %broadcast_in_dim3A_338, %select_n3A_315 : vector<128x4096xi1>, vector<128x4096xf32>
    %reduce_min3A_340 = arith.constant dense<0x7F800000> : vector<128xf32>
    %reduce_min3A_341 = vector.multi_reduction <minimumf>, %select_n3A_339, %reduce_min3A_340 [1] : vector<128x4096xf32> to vector<128xf32>
    %broadcast_in_dim3A_342 = vector.shape_cast %reduce_min3A_341 : vector<128xf32> to vector<128x1xf32>
    %eq3A_343 = vector.broadcast %broadcast_in_dim3A_342 : vector<128x1xf32> to vector<128x4096xf32>
    %eq3A_344 = arith.cmpf oeq, %select_n3A_339, %eq3A_343 : vector<128x4096xf32>
    %jit3A_345 = arith.constant 1.000000e+00 : f32
    %jit3A_346 = arith.constant 0.000000e+00 : f32
    %broadcast_in_dim3A_347 = vector.broadcast %jit3A_345 : f32 to vector<128x4096xf32>
    %broadcast_in_dim3A_348 = vector.broadcast %jit3A_346 : f32 to vector<128x4096xf32>
    %select_n3A_349 = arith.select %eq3A_344, %broadcast_in_dim3A_347, %broadcast_in_dim3A_348 : vector<128x4096xi1>, vector<128x4096xf32>
    %reduce_sum3A_350 = arith.constant dense<0.000000e+00> : vector<128xf32>
    %reduce_sum3A_351 = vector.multi_reduction <add>, %select_n3A_349, %reduce_sum3A_350 [1] : vector<128x4096xf32> to vector<128xf32>
    %broadcast_in_dim3A_352 = vector.shape_cast %reduce_sum3A_351 : vector<128xf32> to vector<128x1xf32>
    %min3A_353 = arith.minimumf %broadcast_in_dim3A_352, %sub3A_336 : vector<128x1xf32>
    %add3A_354 = arith.constant 9.99999996E-13 : f32
    %add3A_355 = vector.broadcast %add3A_354 : f32 to vector<128x1xf32>
    %add3A_356 = arith.addf %broadcast_in_dim3A_342, %add3A_355 : vector<128x1xf32>
    %sqrt3A_357 = math.sqrt %add3A_356 : vector<128x1xf32>
    %mul3A_358 = arith.mulf %min3A_353, %sqrt3A_357 : vector<128x1xf32>
    %add3A_359 = arith.addf %add3A_335, %mul3A_358 : vector<128x1xf32>
    %sub3A_360 = arith.subf %sub3A_336, %min3A_353 : vector<128x1xf32>
    %jit3A_361 = arith.constant 0x7F800000 : f32
    %broadcast_in_dim3A_362 = vector.broadcast %jit3A_361 : f32 to vector<128x4096xf32>
    %select_n3A_363 = arith.select %eq3A_344, %broadcast_in_dim3A_362, %select_n3A_339 : vector<128x4096xi1>, vector<128x4096xf32>
    %reduce_min3A_364 = arith.constant dense<0x7F800000> : vector<128xf32>
    %reduce_min3A_365 = vector.multi_reduction <minimumf>, %select_n3A_363, %reduce_min3A_364 [1] : vector<128x4096xf32> to vector<128xf32>
    %broadcast_in_dim3A_366 = vector.shape_cast %reduce_min3A_365 : vector<128xf32> to vector<128x1xf32>
    %eq3A_367 = vector.broadcast %broadcast_in_dim3A_366 : vector<128x1xf32> to vector<128x4096xf32>
    %eq3A_368 = arith.cmpf oeq, %select_n3A_363, %eq3A_367 : vector<128x4096xf32>
    %jit3A_369 = arith.constant 1.000000e+00 : f32
    %jit3A_370 = arith.constant 0.000000e+00 : f32
    %broadcast_in_dim3A_371 = vector.broadcast %jit3A_369 : f32 to vector<128x4096xf32>
    %broadcast_in_dim3A_372 = vector.broadcast %jit3A_370 : f32 to vector<128x4096xf32>
    %select_n3A_373 = arith.select %eq3A_368, %broadcast_in_dim3A_371, %broadcast_in_dim3A_372 : vector<128x4096xi1>, vector<128x4096xf32>
    %reduce_sum3A_374 = arith.constant dense<0.000000e+00> : vector<128xf32>
    %reduce_sum3A_375 = vector.multi_reduction <add>, %select_n3A_373, %reduce_sum3A_374 [1] : vector<128x4096xf32> to vector<128xf32>
    %broadcast_in_dim3A_376 = vector.shape_cast %reduce_sum3A_375 : vector<128xf32> to vector<128x1xf32>
    %min3A_377 = arith.minimumf %broadcast_in_dim3A_376, %sub3A_360 : vector<128x1xf32>
    %add3A_378 = arith.constant 9.99999996E-13 : f32
    %add3A_379 = vector.broadcast %add3A_378 : f32 to vector<128x1xf32>
    %add3A_380 = arith.addf %broadcast_in_dim3A_366, %add3A_379 : vector<128x1xf32>
    %sqrt3A_381 = math.sqrt %add3A_380 : vector<128x1xf32>
    %mul3A_382 = arith.mulf %min3A_377, %sqrt3A_381 : vector<128x1xf32>
    %add3A_383 = arith.addf %add3A_359, %mul3A_382 : vector<128x1xf32>
    %sub3A_384 = arith.subf %sub3A_360, %min3A_377 : vector<128x1xf32>
    %jit3A_385 = arith.constant 0x7F800000 : f32
    %broadcast_in_dim3A_386 = vector.broadcast %jit3A_385 : f32 to vector<128x4096xf32>
    %select_n3A_387 = arith.select %eq3A_368, %broadcast_in_dim3A_386, %select_n3A_363 : vector<128x4096xi1>, vector<128x4096xf32>
    %reduce_min3A_388 = arith.constant dense<0x7F800000> : vector<128xf32>
    %reduce_min3A_389 = vector.multi_reduction <minimumf>, %select_n3A_387, %reduce_min3A_388 [1] : vector<128x4096xf32> to vector<128xf32>
    %broadcast_in_dim3A_390 = vector.shape_cast %reduce_min3A_389 : vector<128xf32> to vector<128x1xf32>
    %eq3A_391 = vector.broadcast %broadcast_in_dim3A_390 : vector<128x1xf32> to vector<128x4096xf32>
    %eq3A_392 = arith.cmpf oeq, %select_n3A_387, %eq3A_391 : vector<128x4096xf32>
    %jit3A_393 = arith.constant 1.000000e+00 : f32
    %jit3A_394 = arith.constant 0.000000e+00 : f32
    %broadcast_in_dim3A_395 = vector.broadcast %jit3A_393 : f32 to vector<128x4096xf32>
    %broadcast_in_dim3A_396 = vector.broadcast %jit3A_394 : f32 to vector<128x4096xf32>
    %select_n3A_397 = arith.select %eq3A_392, %broadcast_in_dim3A_395, %broadcast_in_dim3A_396 : vector<128x4096xi1>, vector<128x4096xf32>
    %reduce_sum3A_398 = arith.constant dense<0.000000e+00> : vector<128xf32>
    %reduce_sum3A_399 = vector.multi_reduction <add>, %select_n3A_397, %reduce_sum3A_398 [1] : vector<128x4096xf32> to vector<128xf32>
    %broadcast_in_dim3A_400 = vector.shape_cast %reduce_sum3A_399 : vector<128xf32> to vector<128x1xf32>
    %min3A_401 = arith.minimumf %broadcast_in_dim3A_400, %sub3A_384 : vector<128x1xf32>
    %add3A_402 = arith.constant 9.99999996E-13 : f32
    %add3A_403 = vector.broadcast %add3A_402 : f32 to vector<128x1xf32>
    %add3A_404 = arith.addf %broadcast_in_dim3A_390, %add3A_403 : vector<128x1xf32>
    %sqrt3A_405 = math.sqrt %add3A_404 : vector<128x1xf32>
    %mul3A_406 = arith.mulf %min3A_401, %sqrt3A_405 : vector<128x1xf32>
    %add3A_407 = arith.addf %add3A_383, %mul3A_406 : vector<128x1xf32>
    %reduce_sum3A_408 = vector.shape_cast %add3A_407 : vector<128x1xf32> to vector<1x128x1xf32>
    %reduce_sum3A_409 = arith.constant dense<0.000000e+00> : vector<1xf32>
    %reduce_sum3A_410 = vector.multi_reduction <add>, %reduce_sum3A_408, %reduce_sum3A_409 [1, 2] : vector<1x128x1xf32> to vector<1xf32>
    %reduce_sum3A_411 = vector.shape_cast %reduce_sum3A_410 : vector<1xf32> to vector<1x1x1xf32>
    %reduce_sum3A_412 = vector.extract %reduce_sum3A_411[0, 0, 0] : f32 from vector<1x1x1xf32>
    %broadcast_in_dim3A_413 = vector.broadcast %reduce_sum3A_412 : f32 to vector<1x1x1x1xf32>
    %swap3A = arith.constant 0 : index
    %swap3A_414 = arith.constant 0 : index
    %swap3A_415 = arith.constant 0 : index
    %swap3A_416 = arith.constant 0 : index
    %swap3A_417 = vector.load %arg4[%swap3A, %swap3A_414, %swap3A_415, %swap3A_416] : memref<1x1x1x1xf32, #tpu.memory_space<vmem>>, vector<1x1x1x1xf32>
    tpu.vector_store %arg4[%swap3A, %swap3A_414, %swap3A_415, %swap3A_416], %broadcast_in_dim3A_413 {strides = array<i32>} : memref<1x1x1x1xf32, #tpu.memory_space<vmem>>, vector<1x1x1x1xf32>,
    return
  }
  func.func @transform_0(%arg0: i32, %arg1: i32) -> (i32, i32, i32) {
    %add3A = arith.constant 23 : i32
    %add3A_0 = arith.addi %add3A, %arg1 : i32
    %c0_i32 = arith.constant 0 : i32
    %c0_i32_1 = arith.constant 0 : i32
    return %arg0, %add3A_0, %c0_i32 : i32, i32, i32
  }
  func.func @transform_1(%arg0: i32, %arg1: i32) -> (i32, i32, i32) {
    %c0_i32 = arith.constant 0 : i32
    %c0_i32_0 = arith.constant 0 : i32
    %c0_i32_1 = arith.constant 0 : i32
    return %arg0, %c0_i32, %c0_i32_0 : i32, i32, i32
  }
  func.func @transform_2(%arg0: i32, %arg1: i32) -> (i32, i32, i32, i32) {
    %c0_i32 = arith.constant 0 : i32
    %c0_i32_0 = arith.constant 0 : i32
    %c0_i32_1 = arith.constant 0 : i32
    return %arg0, %arg1, %c0_i32, %c0_i32_0 : i32, i32, i32, i32
  }
}

module attributes {stable_mosaic.version = 14 : i64} {
  func.func @body(%arg0: memref<32x16xf32, #tpu.memory_space<vmem>>, %arg1: memref<4x9xf32, #tpu.memory_space<vmem>>, %arg2: memref<1x1xf32, #tpu.memory_space<vmem>>) attributes {dimension_semantics = [], scalar_prefetch = 0 : i64, scratch_operands = 0 : i64, tpu.core_type = #tpu.core_type<tc>} {
    %get3A = arith.constant 0 : index
    %get3A_0 = arith.constant 0 : index
    %get3A_1 = vector.load %arg0[%get3A, %get3A_0] : memref<32x16xf32, #tpu.memory_space<vmem>>, vector<32x16xf32>
    %reduce_sum3A = vector.shape_cast %get3A_1 : vector<32x16xf32> to vector<1x32x16xf32>
    %reduce_sum3A_2 = arith.constant dense<0.000000e+00> : vector<1xf32>
    %reduce_sum3A_3 = vector.multi_reduction <add>, %reduce_sum3A, %reduce_sum3A_2 [1, 2] : vector<1x32x16xf32> to vector<1xf32>
    %reduce_sum3A_4 = vector.shape_cast %reduce_sum3A_3 : vector<1xf32> to vector<1x1x1xf32>
    %reduce_sum3A_5 = vector.extract %reduce_sum3A_4[0, 0, 0] : f32 from vector<1x1x1xf32>
    %get3A_6 = arith.constant 0 : index
    %get3A_7 = arith.constant 0 : index
    %get3A_8 = vector.load %arg1[%get3A_6, %get3A_7] : memref<4x9xf32, #tpu.memory_space<vmem>>, vector<4x9xf32>
    %reduce_sum3A_9 = vector.shape_cast %get3A_8 : vector<4x9xf32> to vector<1x4x9xf32>
    %reduce_sum3A_10 = arith.constant dense<0.000000e+00> : vector<1xf32>
    %reduce_sum3A_11 = vector.multi_reduction <add>, %reduce_sum3A_9, %reduce_sum3A_10 [1, 2] : vector<1x4x9xf32> to vector<1xf32>
    %reduce_sum3A_12 = vector.shape_cast %reduce_sum3A_11 : vector<1xf32> to vector<1x1x1xf32>
    %reduce_sum3A_13 = vector.extract %reduce_sum3A_12[0, 0, 0] : f32 from vector<1x1x1xf32>
    %add3A = arith.addf %reduce_sum3A_5, %reduce_sum3A_13 : f32
    %mul3A = arith.constant 6.10351563E-5 : f32
    %mul3A_14 = arith.mulf %add3A, %mul3A : f32
    %broadcast_in_dim3A = vector.broadcast %mul3A_14 : f32 to vector<1x1xf32>
    %swap3A = arith.constant 0 : index
    %swap3A_15 = arith.constant 0 : index
    %swap3A_16 = vector.load %arg2[%swap3A, %swap3A_15] : memref<1x1xf32, #tpu.memory_space<vmem>>, vector<1x1xf32>
    tpu.vector_store %arg2[%swap3A, %swap3A_15], %broadcast_in_dim3A {strides = array<i32>} : memref<1x1xf32, #tpu.memory_space<vmem>>, vector<1x1xf32>,
    return
  }
}

</mosaic_0001>

<sc_bundles>
// kernel: kernel.5.cloned.1.call-start
scs
__scs_entry_jumppad:
0x0: {  	(pc) =	sbr.rel $0x88, $3  }
0x1: {  	(tag) =	ssettag $0x0;
	lr =	simm.s32 $0x1  }
0x2: {  	[smem:$0x3FA0] =	sst lr;
	_ =	strace $0xD0000000  }
0x3: {  	_ = 	snop  }
0x4: {  	_ = 	snop  }
0x5: {  	_ = 	snop  }
0x6: {  	_ = 	snop  }
0x7: {  	_ = 	snop  }
__scs_overlays_trampoline_lowered:
0x8: {  	[smem:$0x3FAF] =	sst s0  }
0x9: {  	[smem:$0x3FB0] =	sst s1  }
0xa: {  	[smem:$0x3FB1] =	sst s2  }
0xb: {  	[smem:$0x3FB2] =	sst s3  }
0xc: {  	[smem:$0x3FB3] =	sst s4  }
0xd: {  	[smem:$0x3FB4] =	sst s5  }
0xe: {  	[smem:$0x3FB5] =	sst s6  }
0xf: {  	[smem:$0x3FB6] =	sst s7  }
0x10: {  	[smem:$0x3FB7] =	sst s8  }
0x11: {  	[smem:$0x3FB8] =	sst s9;
	s0 =	simm.s32 @!p0 $0x0  }
0x12: {  	s1 =	sld [smem:$0x3F9E];
	s0 =	simm.s32 @p0 $0x1  }
0x13: {  	[smem:$0x3FB9] =	sst s0;
	s0 =	simm.s32 @!p1 $0x0  }
0x14: {  	s2 =	sld [smem:$0x3F9D];
	s0 =	simm.s32 @p1 $0x1  }
0x15: {  	[smem:$0x3FBA] =	sst s0;
	s0 =	simm.s32 @!p2 $0x0  }
0x16: {  	s3 =	sld [smem:$0x3FDB];
	s0 =	simm.s32 @p2 $0x1  }
0x17: {  	s4 =	simm.s32 $0x1BF5;
	[smem:$0x3FBC] =	sst s0  }
0x18: {  	s0 =	sld [smem:$0x3F9F];
	_ =	swait.ge [sflag:s4], $0x0  }
0x19: {  	s7 =	sld [smem:$0x3FA0]  }
0x1a: {  	s8 =	sadd.s32 $0xFFFFE003, lr  }
0x1b: {  	s9 =	sadd.s32 $0xFFFFFEF7, lr;
	s5 =	simm.s32 $0xFFFFFFFF;
	p2 =	slt.u32 s8, $0xFFFFF086  }
0x1c: {  	p1 =	slt.u32 s9, $0xF7A;
	s5 =	simm.s32 @!p2 $0x0  }
0x1d: {  	s5 =	simm.s32 @p1 $0x1;
	p0 =	seq.s32 s7, s2  }
0x1e: {  	s7 =	smul.u32 @!p0 $0xF7A, s2;
	p2 =	seq.s32 @!p0 s5, $0x0  }
0x1f: {  	s9 =	smul.u32 $0xF7A, s1;
	s8 =	simm.s32 @!p0 $0x1BF5;
	p2 =	por !p2, p0  }
0x20: {  	[sflag:s8] =	ssyncset.s32 @!p0 $0xFFFFF086;
	s6 =	sadd.s32 @!p0 s3, s7;
	s7 =	simm.s32 @!p0 $0x108  }
0x21: {  	s3 =	sadd.s32 s3, s9;
	s6 =	sadd.s32 @!p0 $0x88, s6;
	s7 =	simm.s32 @p2 $0x1082  }
0x22: {  	[simem:s7], [sflag:s8] =	dma.local @!p0 [hbm:s6], $0xF7A  }
0x23: {  	s9 =	sor.u32 $0xD0000000, s2;
	s6 =	simm.s32 $0x108;
	_ =	swait.ge @!p0 [sflag:s8], $0x0  }
0x24: {  	s3 =	sadd.s32 $0x88, s3;
	s6 =	simm.s32 @!p1 $0x1082;
	[sflag:s4] =	ssyncset.s32 $0xFFFFF086  }
0x25: {  	[simem:s6], [sflag:s4] =	dma.local [hbm:s3], $0xF7A  }
0x26: {  	[smem:$0x3FA0] =	sst s1;
	(tag) =	ssettag s2;
	_ =	strace s9  }
0x27: {  	s1 =	sld [smem:$0x3FB0]  }
0x28: {  	s2 =	sld [smem:$0x3FB1]  }
0x29: {  	s4 =	sld [smem:$0x3FB3]  }
0x2a: {  	p0 =	seq.s32 s5, $0x0;
	s5 =	sld [smem:$0x3FB4]  }
0x2b: {  	s6 =	sld [smem:$0x3FB5]  }
0x2c: {  	s7 =	sld [smem:$0x3FB6]  }
0x2d: {  	s3 =	simm.s32 $0x108;
	s8 =	sld [smem:$0x3FB7]  }
0x2e: {  	s3 =	simm.s32 @!p0 $0x1082;
	s9 =	sld [smem:$0x3FB8]  }
0x2f: {  	lr =	sadd.s32 s0, s3;
	s0 =	sld [smem:$0x3FAF]  }
0x30: {  	s3 =	sld [smem:$0x3FB2]  }
0x31: {  	[smem:$0x3FBB] =	sst s10  }
0x32: {  	s10 =	sld [smem:$0x3FB9];
	_ =	sdelay $0x3  }
0x33: {  	p0 =	seq.s32 s10, $0x1;
	s10 =	sld [smem:$0x3FBB];
	_ =	sdelay $0x3  }
0x34: {  	[smem:$0x3FBB] =	sst s10  }
0x35: {  	s10 =	sld [smem:$0x3FBA];
	_ =	sdelay $0x3  }
0x36: {  	p1 =	seq.s32 s10, $0x1;
	s10 =	sld [smem:$0x3FBB];
	_ =	sdelay $0x3  }
0x37: {  	[smem:$0x3FBB] =	sst s10  }
0x38: {  	s10 =	sld [smem:$0x3FBC]  }
0x39: {  	_ = 	snop;
	(pc) =	sbr.ind lr, $3  }
0x3a: {  	_ = 	snop  }
0x3b: {  	_ = 	snop  }
0x3c: {  	p2 =	seq.s32 s10, $0x1;
	s10 =	sld [smem:$0x3FBB]  }
0x3d: {  	_ =	shalt  }
0x3e: {  	_ =	shalt  }
0x3f: {  	_ =	shalt  }
0x40: {  	_ =	shalt  }
0x41: {  	_ =	shalt  }
0x42: {  	_ =	shalt  }
0x43: {  	_ =	shalt  }
0x44: {  	_ =	shalt  }
0x45: {  	_ =	shalt  }
0x46: {  	_ =	shalt  }
0x47: {  	_ =	shalt  }
0x48: {  	_ =	shalt  }
0x49: {  	_ =	shalt  }
0x4a: {  	_ =	shalt  }
0x4b: {  	_ =	shalt  }
0x4c: {  	_ =	shalt  }
0x4d: {  	_ =	shalt  }
0x4e: {  	_ =	shalt  }
0x4f: {  	_ =	shalt  }
0x50: {  	_ =	shalt  }
0x51: {  	_ =	shalt  }
0x52: {  	_ =	shalt  }
0x53: {  	_ =	shalt  }
0x54: {  	_ =	shalt  }
0x55: {  	_ =	shalt  }
0x56: {  	_ =	shalt  }
0x57: {  	_ =	shalt  }
0x58: {  	_ =	shalt  }
0x59: {  	_ =	shalt  }
0x5a: {  	_ =	shalt  }
0x5b: {  	_ =	shalt  }
0x5c: {  	_ =	shalt  }
0x5d: {  	_ =	shalt  }
0x5e: {  	_ =	shalt  }
0x5f: {  	_ =	shalt  }
0x60: {  	_ =	shalt  }
0x61: {  	_ =	shalt  }
0x62: {  	_ =	shalt  }
0x63: {  	_ =	shalt  }
0x64: {  	_ =	shalt  }
0x65: {  	_ =	shalt  }
0x66: {  	_ =	shalt  }
0x67: {  	_ =	shalt  }
0x68: {  	_ =	shalt  }
0x69: {  	_ =	shalt  }
0x6a: {  	_ =	shalt  }
0x6b: {  	_ =	shalt  }
0x6c: {  	_ =	shalt  }
0x6d: {  	_ =	shalt  }
0x6e: {  	_ =	shalt  }
0x6f: {  	_ =	shalt  }
0x70: {  	_ =	shalt  }
0x71: {  	_ =	shalt  }
0x72: {  	_ =	shalt  }
0x73: {  	_ =	shalt  }
0x74: {  	_ =	shalt  }
0x75: {  	_ =	shalt  }
0x76: {  	_ =	shalt  }
0x77: {  	_ =	shalt  }
0x78: {  	_ =	shalt  }
0x79: {  	_ =	shalt  }
0x7a: {  	_ =	shalt  }
0x7b: {  	_ =	shalt  }
0x7c: {  	_ =	shalt  }
0x7d: {  	_ =	shalt  }
0x7e: {  	_ =	shalt  }
0x7f: {  	_ =	shalt  }
0x80: {  	_ =	shalt  }
0x81: {  	_ =	shalt  }
0x82: {  	_ =	shalt  }
0x83: {  	_ =	shalt  }
0x84: {  	_ =	shalt  }
0x85: {  	_ =	shalt  }
0x86: {  	_ =	shalt  }
0x87: {  	_ =	shalt  }
.Lfunc_end0:
.L_simem_size_0:
called_computation_lowered:
.L_overlay_start_0:
0x88: {  	s2 =	sld [smem:$0x3FD9]  }
0x89: {  	s3 =	sld [smem:$0x3FFE];
	_ =	sdelay $0x1  }
0x8a: {  	s1 =	srdreg.scid  }
0x8b: {  	s0 =	sand.u32 $0x1, s1  }
0x8c: {  	s16 =	sshll.u32 s0, $0xA;
	s2 =	sadd.s32 s3, s2  }
0x8d: {  	s2 =	sadd.s32 s2, s16  }
0x8e: {  	[smem:$0x3FC7] =	sst s2  }
0x8f: {  	_ = 	snop  }
0x90: {  	(tm) =	ssettm $0x1  }
0x91: {  	s17 =	sld [smem:$0x3FFB];
	_ =	sdelay $0x3  }
0x92: {  	_ =	strace s17  }
0x93: {  	s2 =	sld [smem:$0x3FFC];
	_ =	sdelay $0x3  }
0x94: {  	_ =	strace s2  }
0x95: {  	s2 =	sld [smem:$0x3FFD];
	_ =	sdelay $0x3  }
0x96: {  	_ =	strace s2  }
0x97: {  	_ =	strace $0x8FFFFFFF  }
0x98: {  	s18 =	sld [smem:$0x3FDB];
	_ =	sdelay $0x1  }
0x99: {  	s19 =	simm.s32 $_scs_section_size  }
0x9a: {  	s4 =	simm.s32 $_size__tile_overlayer_lowered;
	s5 =	simm.s32 $_tile_overlayer_lowered  }
0x9b: {  	s22 =	simm.s32 $0x1BFF;
	s21 =	sshll.u32 s5, $0x1;
	s2 =	sadd.s32 s19, s18  }
0x9c: {  	s6 =	simm.s32 $0x0;
	s20 =	sshll.u32 s4, $0x1;
	s4 =	sadd.s32 s21, s2  }
0x9d: {  	[timem:s6], [sflag:s22] =	dma.local [hbm:s4], s20  }
0x9e: {  	_ =	swait.ge [sflag:s22], s20  }
0x9f: {  	s3 =	ssub.s32 $0x0, s20;
	[sflag:s22] =	ssyncset.done $0x0  }
0xa0: {  	[sflag:s22] =	ssyncadd.s32 s3;
	_ =	sdelay $0x1  }
0xa1: {  	s23 =	simm.s32 $0x1B8B  }
0xa2: {  	_ =	swait.ge [sflag:s23], $0x1  }
0xa3: {  	[sflag:s23] =	ssyncset.done $0x0  }
0xa4: {  	s25 =	simm.s32 $0x1B8E;
	s24 =	sld [smem:$0x3FFE];
	[sflag:s23] =	ssyncadd.s32 $0xFFFFFFFF  }
0xa5: {  	s26 =	simm.s32 $execute0_lowered;
	[smem:$0x3FD2] =	sst s25  }
0xa6: {  	s4 =	sshll.u32 s26, $0x1;
	_ =	strace $0x80000046;
	[dreg:$0x1] =	wrdreg $0xFFFFFFFF  }
0xa7: {  	s28 =	simm.s32 $_size_execute0_lowered;
	s2 =	sadd.s32 s2, s4;
	[dreg:$0x0] =	wrdreg $0x0  }
0xa8: {  	s4 =	sshll.u32 s28, $0x1;
	[dreg:$0x2] =	wrdreg s2  }
0xa9: {  	[dreg:$0x3] =	wrdreg s4  }
0xaa: {  	[dreg:$0x4] =	wrdreg $0xC0  }
0xab: {  	_ =	task [dreg:s6], $0x5FFFF  }
0xac: {  	[dreg:$0x1] =	wrdreg $0xFFFFFFFF  }
0xad: {  	[dreg:$0x0] =	wrdreg $0x60  }
0xae: {  	[dreg:$0x2] =	wrdreg s24  }
0xaf: {  	[dreg:$0x3] =	wrdreg $0x9  }
0xb0: {  	_ =	task.clear_ibuf [dreg:s6], $0x4FFFF;
	_ =	strace $0x90000046  }
0xb1: {  	s29 =	simm.s32 $0x9;
	_ =	strace $0x80000048  }
0xb2: {  	_ =	swait.ge [sflag:s29], $0x1  }
0xb3: {  	[sflag:s29] =	ssyncadd.s32 $0xFFFFFFFF  }
0xb4: {  	_ =	strace $0x90000048  }
0xb5: {  	_ =	sfence  }
0xb6: {  	s30 =	sld [smem:$0x0];
	_ =	sdelay $0x2  }
0xb7: {  	s31 =	sshll.u32 s1, $0xD;
	s1 =	sshrl.u32 s1, $0x2  }
0xb8: {  	s3 =	sand.u32 $0x4000, s31;
	s1 =	sadd.s32 s1, s30  }
0xb9: {  	s0 =	sor.u32 s3, s0;
	s1 =	sshll.u32 s1, $0x11  }
0xba: {  	s0 =	sor.u32 s1, s0  }
0xbb: {  	s0 =	sadd.s32 $0x8F2B, s0  }
0xbc: {  	[sflag:s0] =	ssyncadd.remote.s32 $0x1  }
0xbd: {  	_ =	sfence.sel $0xFFFF  }
0xbe: {  	[dreg:$0x0] =	wrdreg $0xFFFFFFFF;
	(pc) =	sbr.abs _section_cstart, $3  }
0xbf: {  	[dreg:$0x1] =	wrdreg $0xFFFFFFFF  }
0xc0: {  	_ =	task.clear_ibuf [dreg:s6], $0x2FFFF;
	_ =	strace $0x9FFFFFFF  }
0xc1: {  	(tm) =	ssettm $0x7FFFFFFF  }
tec
execute0_lowered:
.L_overlay_start_1:
0x0: {  	(tag) =	ssettag $0x1  }
0x1: {  	s0 =	srdreg.scid;
	s5 =	rddreg [dreg:$0x0];
	s7 =	simm.s32 $0x1  }
0x2: {  	s2 =	simm.s32 $0x0;
	s14 =	simm.s32 $0x5000;
	s3 =	sand.u32 $0x1, s0  }
0x3: {  	s15 =	simm.s32 $0x6080;
	s0 =	stileid.u32;
	s1 =	sshll.u32 s3, $0x4  }
0x4: {  	s16 =	simm.s32 $0x7100;
	s4 =	sand.u32 $0x7, s0;
	s6 =	sor.u32 s0, s1  }
0x5: {  	s17 =	simm.s32 $0x0;
	p1 =	sne.s32 s4, $0x0;
	p0 =	seq.s32 s6, $0x0  }
0x6: {  	[smem:$0x7FF] =	sst s2;
	s11 =	sadd.s32 $0x200, s5;
	p0 =	por !p1, !p0  }
0x7: {  	s9 =	sshll.u32 s0, $0x4;
	s3 =	ssub.s32 $0x2, s3;
	p0 =	por !p0, !p0  }
0x8: {  	s1 =	rddreg [dreg:$0x1];
	s8 =	sshrl.u32 s6, $0x3;
	s7 =	simm.s32 @!p0 $0x0  }
0x9: {  	_ =	strace $0x80000047;
	s4 =	smul.u32 $0x170, s4;
	s7 =	ssub.s32 s8, s7  }
0xa: {  	s9 =	sand.u32 $0x70, s9;
	s12 =	sshrl.u32 s3, $0x1;
	s8 =	smul.u32 $0x3000, s7  }
0xb: {  	s9 =	sadd.s32 s9, s5;
	s6 =	sshll.u32 s6, $0x4;
	s10 =	smul.u32 $0x180, s7  }
0xc: {  	s12 =	ssub.s32 s3, s12;
	s6 =	sand.u32 $0x180, s6;
	s7 =	smul.u32 $0x3, s7  }
0xd: {  	s3 =	simm.s32 $0x1;
	s9 =	sadd.s32 s6, s9;
	s8 =	sand.u32 $0xFFFF8000, s8  }
0xe: {  	s10 =	sand.u32 $0x380, s10;
	s30 =	sadd.s32 $0x1, s7;
	s7 =	sadd.s32 $0x2, s7  }
0xf: {  	s29 =	sor.u32 s10, s8;
	s31 =	sshll.u32 s30, $0xC;
	s8 =	sshll.u32 s30, $0x7  }
0x10: {  	s13 =	sshll.u32 s7, $0xC;
	s7 =	sshll.u32 s7, $0x7;
	s5 =	sshrl.u32 s29, $0x3  }
0x11: {  	s10 =	sand.u32 $0xFFFF8000, s31;
	s8 =	sand.u32 $0x380, s8;
	s13 =	sand.u32 $0xFFFF8000, s13  }
.Ltmp0:
0x12: {  	s7 =	sand.u32 $0x380, s7;
	s5 =	sadd.s32 s11, s5;
	(pc) =	sbr.rel .LBB2_1-.Ltmp0, $4  }
0x13: {  	s8 =	sor.u32 s8, s10;
	s7 =	sor.u32 s7, s13;
	s10 =	simm.s32 $0x80  }
0x14: {  	s13 =	simm.s32 $0x2000;
	s8 =	sshrl.u32 s8, $0x3;
	s7 =	sshrl.u32 s7, $0x3  }
0x15: {  	s6 =	sadd.s32 s11, s8;
	s7 =	sadd.s32 s11, s7;
	s8 =	sadd.s32 $0x2200, s9  }
0x16: {  	v0 =	vimm.s32 $0x1;
	v1 =	vlaneseq.u32;
	s9 =	smax.u32 s12, $0x1;
	s11 =	simm.s32 $0x400;
	s12 =	simm.s32 $0x1000  }
.LBB2_23:
0x17: {  	s17 =	sadd.s32 $0x1, s17  }
0x18: {  	p0 =	sne.s32 s17, s9  }
.Ltmp1:
0x19: {  	[tilespmem:$0x7100] =	vst v2;
	(pc) =	sbr.rel @!p0 .LBB2_24-.Ltmp1, $4  }
0x1a: {  	[hbm4b:s8+s2] =	stream.linear.scatter [tilespmem:s16], [sflag:$0x1], $0x80, $0x38;
	[tilespmem:$0x7180] =	vst v63  }
0x1b: {  	_ =	swait.ge [sflag:s3], $0x80  }
0x1c: {  	[sflag:s3] =	ssyncset.done $0x0  }
0x1d: {  	[sflag:s3] =	ssyncadd.s32 $0xFFFFFF80  }
.LBB2_1:
0x1e: {  	[tilespmem:s2], [sflag:$0x1] =	stream.strided.gather [hbm4b:s5+s10], $0x1000, s11, s10, $0x38;
	[tilespmem:$0x7180] =	vst v63  }
0x1f: {  	_ =	swait.ge [sflag:s3], $0x1000  }
0x20: {  	[sflag:s3] =	ssyncset.done $0x0  }
0x21: {  	[sflag:s3] =	ssyncadd.s32 $0xFFFFF000  }
0x22: {  	[tilespmem:s12], [sflag:$0x1] =	stream.strided.gather [hbm4b:s6+s10], $0x1000, s11, s10, $0x38;
	[tilespmem:$0x7180] =	vst v63  }
0x23: {  	_ =	swait.ge [sflag:s3], $0x1000  }
0x24: {  	[sflag:s3] =	ssyncset.done $0x0  }
.Ltmp2:
0x25: {  	[sflag:s3] =	ssyncadd.s32 $0xFFFFF000;
	(pc) =	sbr.rel .LBB2_2-.Ltmp2, $4  }
0x26: {  	[tilespmem:s13], [sflag:$0x1] =	stream.strided.gather [hbm4b:s7+s10], $0x1000, s11, s10, $0x38;
	[tilespmem:$0x7180] =	vst v63  }
0x27: {  	_ =	swait.ge [sflag:s3], $0x1000  }
0x28: {  	[sflag:s3] =	ssyncset.done $0x0  }
0x29: {  	v2 =	vimm.f32 $0.0e+00;
	s18 =	simm.s32 $0x0;
	[sflag:s3] =	ssyncadd.s32 $0xFFFFF000  }
.LBB2_16:
0x2a: {  	s20 =	simm.s32 $0x10  }
.LBB2_21:
0x2b: {  	v9 =	vmul.u32 @p0 $0xFFFFFFFF, v1;
	_ =	sdelay $0x1  }
0x2c: {  	s20 =	sadd.s32 @p0 $0x10, s20;
	v9 =	vadd.s32 @p0 $0xF, v9  }
0x2d: {  	s19 =	smov.u32 @p0 s20  }
0x2e: {  	v11, _, _ =	vpop @p0 (xrf1);
	v10 =	vor.u32 s19, v1  }
0x2f: {  	vm0 =	vlt.s32 v10, v7;
	v7 =	vperm.xlane @p0 v11, v9;
	v9, _, _ =	vpop @p1 (xrf1)  }
0x30: {  	v8 =	vnsel vm0, $0x7F800000, v8;
	v9 =	vpsel p1, v9, v6  }
0x31: {  	(xrf1) =	vsort.ascd.msk.f32 $0xffff, v8, v8;
	v7 =	vmin.f32 @p0 v9, v7  }
0x32: {  	(xrf1) =	vsort.ascd.msk.f32 @p0 $0xffff, v7, v7;
	_ =	sdelay $0xa  }
0x33: {  	v7 =	vmul.u32 $0xFFFFFFFF, v1;
	_ =	sdelay $0x1  }
0x34: {  	v7 =	vadd.s32 $0xF, v7;
	v8, _, _ =	vpop (xrf1)  }
0x35: {  	v7 =	vperm.xlane v8, v7;
	v8, _, _ =	vpop @p0 (xrf1)  }
0x36: {  	v6 =	vpsel p0, v8, v6  }
0x37: {  	v6 =	vmin.f32 v6, v7  }
0x38: {  	(xrf1) =	vsort.ascd.msk.f32 $0xffff, v6, v6;
	_ =	sdelay $0xd  }
0x39: {  	v6, _, _ =	vpop (xrf1)  }
.LBB2_22:
0x3a: {  	v6 =	vadd.f32 $9.999999960e-13, v6;
	_ =	sdelay $0x1  }
0x3b: {  	v7 =	vshra.s32 v6, $0x1  }
0x3c: {  	v7 =	vadd.s32 $0x1FBD1DF5, v7  }
0x3d: {  	(erf) = vrcp.f32 v7;
	_ =	sdelay $0x8  }
0x3e: {  	v8 =	vpop (erf)  }
0x3f: {  	v8 =	vmul.f32 v8, v6;
	_ =	sdelay $0x1  }
0x40: {  	v7 =	vadd.f32 v7, v8;
	_ =	sdelay $0x1  }
0x41: {  	v7 =	vmul.f32 $5.000000000e-01, v7;
	_ =	sdelay $0x1  }
0x42: {  	(erf) = vrcp.f32 v7;
	_ =	sdelay $0x8  }
0x43: {  	v61 =	vpop (erf)  }
0x44: {  	v8 =	vmul.f32 v61, v6;
	_ =	sdelay $0x1  }
0x45: {  	v7 =	vadd.f32 v8, v7;
	_ =	sdelay $0x1  }
0x46: {  	v7 =	vmul.f32 $5.000000000e-01, v7;
	_ =	sdelay $0x1  }
0x47: {  	(erf) = vrcp.f32 v7;
	_ =	sdelay $0x7  }
0x48: {  	v3 =	vmul.f32 v5, v3  }
0x49: {  	v62 =	vpop (erf)  }
0x4a: {  	s18 =	sadd.s32 $0x1, s18;
	v3 =	vadd.f32 v3, v4;
	v63 =	vmul.f32 v62, v6  }
0x4b: {  	p0 =	sne.s32 s18, $0xB8  }
.Ltmp3:
0x4c: {  	v3 =	vmul.f32 $5.000000000e-01, v3;
	v4 =	vadd.f32 v63, v7;
	(pc) =	sbr.rel @!p0 .LBB2_23-.Ltmp3, $3  }
0x4d: {  	_ = 	snop  }
0x4e: {  	v2 =	vadd.f32 v3, v2;
	v3 =	vmul.f32 $5.000000000e-01, v4;
	_ =	sdelay $0x1  }
0x4f: {  	v2 =	vadd.f32 v3, v2  }
.LBB2_2:
0x50: {  	s25 =	simm.s32 $0x1020  }
0x51: {  	s20 =	simm.s32 $0x2020;
	v9 =	vld [tilespmem:s25+$0xFFFFFFE0]  }
0x52: {  	v10 =	vld [tilespmem:s20+$0x0]  }
0x53: {  	s19 =	sshll.u32 s18, $0x1;
	v11 =	vld [tilespmem:s25+$0x10]  }
0x54: {  	s19 =	sadd.s32 s4, s19;
	v14 =	vld [tilespmem:s20+$0xFFFFFFE0]  }
0x55: {  	v21 =	vld [tilespmem:s20+$0x10];
	v5 =	vmov s19  }
0x56: {  	s21 =	simm.s32 $0x20;
	v25 =	vld [tilespmem:s25+$0x0]  }
0x57: {  	s26 =	simm.s32 $0x1060;
	v30 =	vld [tilespmem:s21+$0xFFFFFFE0]  }
0x58: {  	v34 =	vld [tilespmem:s26+$0x10];
	v8 =	vor.u32 $0x1, v5  }
0x59: {  	v39 =	vld [tilespmem:s26+$0x0]  }
0x5a: {  	v4 =	vld.idx.msk [tilespmem:v5+s12+$0x0], $0xffff  }
0x5b: {  	v6 =	vld.idx.msk [tilespmem:v5+s13+$0x0], $0xffff  }
0x5c: {  	v3 =	vld.idx.msk [tilespmem:v5+s2+$0x0], $0xffff  }
0x5d: {  	v5 =	vld.idx.msk [tilespmem:v8+s2+$0x0], $0xffff  }
0x5e: {  	v7 =	vld.idx.msk [tilespmem:v8+s12+$0x0], $0xffff  }
0x5f: {  	v8 =	vld.idx.msk [tilespmem:v8+s13+$0x0], $0xffff;
	v15 =	vsub.f32 v9, v4  }
0x60: {  	v13 =	vld [tilespmem:s21+$0x10];
	v19 =	vsub.f32 v10, v6;
	v24 =	vsub.f32 v14, v6  }
0x61: {  	v17 =	vld [tilespmem:s25+$0xFFFFFFF0];
	v28 =	vsub.f32 v21, v6;
	v31 =	vsub.f32 v25, v4  }
0x62: {  	v18 =	vld [tilespmem:s20+$0xFFFFFFF0];
	v32 =	vsub.f32 v30, v3;
	v61 =	vsub.f32 v34, v4  }
0x63: {  	v22 =	vld [tilespmem:s21+$0xFFFFFFF0];
	v63 =	vsub.f32 v39, v4;
	v16 =	vsub.f32 v9, v7  }
0x64: {  	v20 =	vsub.f32 v11, v7;
	v10 =	vsub.f32 v10, v8  }
0x65: {  	v11 =	vsub.f32 v11, v4;
	v23 =	vsub.f32 v13, v5  }
0x66: {  	v26 =	vsub.f32 v17, v7;
	v17 =	vsub.f32 v17, v4  }
0x67: {  	v13 =	vsub.f32 v13, v3;
	v27 =	vsub.f32 v18, v8  }
0x68: {  	v9 =	vimm.f32 $+Inf;
	v14 =	vsub.f32 v14, v8;
	v29 =	vsub.f32 v22, v5  }
0x69: {  	v21 =	vsub.f32 v21, v8;
	v15 =	vmul.f32 v15, v15;
	v19 =	vmul.f32 v19, v19  }
0x6a: {  	v12 =	vld [tilespmem:s21+$0x0];
	v46 =	vsub.f32 v39, v7;
	v28 =	vmul.f32 v28, v28;
	v39 =	vmul.f32 v63, v63  }
0x6b: {  	s31 =	simm.s32 $0x60;
	v22 =	vsub.f32 v22, v3;
	v33 =	vmul.f32 v16, v16;
	v23 =	vmul.f32 v23, v23  }
0x6c: {  	v42 =	vld [tilespmem:s31+$0xFFFFFFF0];
	v30 =	vsub.f32 v30, v5;
	v26 =	vmul.f32 v26, v26;
	v17 =	vmul.f32 v17, v17  }
0x6d: {  	v38 =	vsub.f32 v34, v7;
	v11 =	vmul.f32 v11, v11;
	v35 =	vmul.f32 v14, v14  }
0x6e: {  	v14 =	vsub.f32 v18, v6;
	v18 =	vsub.f32 v25, v7;
	v25 =	vmul.f32 v31, v31  }
0x6f: {  	v16 =	vsub.f32 v12, v3;
	v20 =	vmul.f32 v20, v20;
	v29 =	vmul.f32 v29, v29  }
0x70: {  	v12 =	vsub.f32 v12, v5;
	v13 =	vmul.f32 v13, v13;
	v22 =	vmul.f32 v22, v22  }
0x71: {  	v44 =	vsub.f32 v42, v5;
	v31 =	vld [tilespmem:s26+$0xFFFFFFE0];
	v10 =	vmul.f32 v10, v10;
	v40 =	vmul.f32 v30, v30  }
0x72: {  	v12 =	vmul.f32 v12, v12;
	v18 =	vmul.f32 v18, v18;
	v13 =	vadd.f32 v11, v13  }
0x73: {  	v16 =	vmul.f32 v16, v16;
	v37 =	vadd.f32 v26, v29;
	v20 =	vadd.f32 v20, v23  }
0x74: {  	s30 =	simm.s32 $0x2060;
	v17 =	vadd.f32 v17, v22;
	v23 =	vmul.f32 v32, v32;
	v29 =	vld [tilespmem:s26+$0xFFFFFFF0];
	v11 =	vadd.f32 v18, v12  }
0x75: {  	v30 =	vld [tilespmem:s30+$0xFFFFFFF0];
	v16 =	vadd.f32 v25, v16;
	v12 =	vmul.f32 v21, v21;
	v13 =	vadd.f32 v28, v13  }
0x76: {  	v14 =	vmul.f32 v14, v14;
	v25 =	vld [tilespmem:s30+$0x0];
	v22 =	vsub.f32 v31, v4;
	v10 =	vadd.f32 v10, v11  }
0x77: {  	v32 =	vmul.f32 v61, v61;
	v18 =	vld [tilespmem:s31+$0x0];
	v11 =	vadd.f32 v12, v20;
	v12 =	vsub.f32 v31, v7  }
0x78: {  	v21 =	vmul.f32 v24, v24;
	v24 =	vld [tilespmem:s31+$0x10];
	v20 =	vadd.f32 v15, v23;
	v19 =	vadd.f32 v19, v16  }
0x79: {  	v28 =	vld [tilespmem:s30+$0xFFFFFFE0];
	v31 =	vmul.f32 v27, v27;
	v16 =	vsub.f32 v29, v7;
	v36 =	vsub.f32 v29, v4  }
0x7a: {  	v15 =	vmul.f32 v22, v22;
	v29 =	vsub.f32 v30, v8;
	v62 =	vadd.f32 v21, v20  }
0x7b: {  	v12 =	vmul.f32 v12, v12;
	v31 =	vadd.f32 v31, v37;
	v27 =	vsub.f32 v25, v6  }
0x7c: {  	v22 =	vld [tilespmem:s30+$0x10];
	v37 =	vmul.f32 v38, v38;
	v41 =	vsub.f32 v25, v8;
	v23 =	vsub.f32 v18, v3  }
0x7d: {  	v38 =	vmul.f32 v44, v44;
	v25 =	vsub.f32 v18, v5;
	v21 =	vsub.f32 v24, v5  }
0x7e: {  	v18 =	vadd.f32 v14, v17;
	v17 =	vsub.f32 v28, v6;
	v26 =	vmul.f32 v23, v23  }
0x7f: {  	v43 =	vsub.f32 v24, v3;
	v20 =	vmul.f32 v25, v25;
	v14 =	vmul.f32 v27, v27  }
0x80: {  	v23 =	vmin.f32 v9, v62;
	v25 =	vmul.f32 v21, v21;
	v27 =	vmul.f32 v16, v16  }
0x81: {  	s21 =	simm.s32 $0x3020;
	v21 =	vsub.f32 v28, v8;
	v28 =	vmul.f32 v36, v36;
	v36 =	vld [tilespmem:s31+$0xFFFFFFE0];
	v16 =	vsub.f32 v22, v6  }
0x82: {  	[tilespmem:s21+$0x10] =	vst v13;
	v34 =	vmul.f32 v41, v41;
	v41 =	vsub.f32 v42, v3;
	v43 =	vmul.f32 v43, v43  }
0x83: {  	s22 =	simm.s32 $0x4020;
	[tilespmem:s21+$0x0] =	vst v19;
	v45 =	vsub.f32 v22, v8;
	v22 =	vsub.f32 v30, v6;
	v24 =	vmul.f32 v16, v16  }
0x84: {  	s23 =	simm.s32 $0x2;
	s24 =	simm.s32 $0x4060;
	[tilespmem:s22+$0x0] =	vst v10;
	v16 =	vmul.f32 v21, v21;
	v21 =	vmul.f32 v17, v17;
	v17 =	vadd.f32 v33, v40  }
0x85: {  	s28 =	simm.s32 $0x10A0;
	s29 =	simm.s32 $0xA0;
	s25 =	simm.s32 $0x3060;
	[tilespmem:s22+$0x10] =	vst v11;
	v30 =	vmul.f32 v45, v45;
	v40 =	vmul.f32 v46, v46;
	v33 =	vmin.f32 v9, v31  }
0x86: {  	s20 =	simm.s32 $0x3060;
	s19 =	simm.s32 $0x4060;
	s26 =	simm.s32 $0x20A0;
	[tilespmem:s21+$0xFFFFFFE0] =	vst v62;
	v42 =	vsub.f32 v36, v3;
	v35 =	vadd.f32 v35, v17;
	v17 =	vimm.f32 $+Inf  }
.LBB2_3:
0x87: {  	v44 =	vld [tilespmem:s28+$0xFFFFFFE0];
	s23 =	sadd.s32 $0x2, s23;
	v36 =	vsub.f32 v36, v5;
	v41 =	vmul.f32 v41, v41;
	v39 =	vadd.f32 v39, v26;
	s24 =	sadd.s32 $0x40, s24;
	s25 =	sadd.s32 $0x40, s25  }
0x88: {  	v9 =	vmin.f32 v9, v18;
	v26 =	vld [tilespmem:s26+$0x0];
	p0 =	slt.u32 s23, $0x7E;
	v42 =	vmul.f32 v42, v42;
	v32 =	vadd.f32 v32, v43;
	[tilespmem:s21+$0xFFFFFFF0] =	vst v18;
	s21 =	smov.u32 s20;
	s20 =	smov.u32 s25  }
0x89: {  	v20 =	vadd.f32 v40, v20;
	v23 =	vmin.f32 v23, v19;
	v43 =	vmul.f32 v29, v29;
	v18 =	vld [tilespmem:s28+$0x10];
	[tilespmem:s22+$0xFFFFFFF0] =	vst v31  }
0x8a: {  	v25 =	vadd.f32 v37, v25;
	v9 =	vmin.f32 v9, v13;
	v31 =	vadd.f32 v27, v38;
	v19 =	vld [tilespmem:s29+$0x0]  }
0x8b: {  	v33 =	vmin.f32 v33, v11;
	v27 =	vadd.f32 v28, v41;
	v20 =	vadd.f32 v34, v20;
	v37 =	vld [tilespmem:s26+$0xFFFFFFF0];
	[tilespmem:s22+$0xFFFFFFE0] =	vst v35;
	s22 =	smov.u32 s19;
	s19 =	smov.u32 s24  }
0x8c: {  	v17 =	vmin.f32 v17, v35;
	v11 =	vadd.f32 v30, v25;
	v28 =	vsub.f32 v44, v4;
	v29 =	vld [tilespmem:s29+$0x10]  }
0x8d: {  	v17 =	vmin.f32 v17, v10;
	v13 =	vadd.f32 v24, v32;
	v10 =	vmovc v20;
	v25 =	vsub.f32 v44, v7;
	v34 =	vld [tilespmem:s29+$0xFFFFFFF0]  }
0x8e: {  	v38 =	vmul.f32 v36, v36;
	v30 =	vsub.f32 v26, v6;
	v24 =	vld [tilespmem:s26+$0xFFFFFFE0];
	v35 =	vsub.f32 v18, v7  }
0x8f: {  	v20 =	vadd.f32 v15, v42;
	v44 =	vsub.f32 v26, v8;
	v40 =	vmul.f32 v25, v25;
	v32 =	vld [tilespmem:s28+$0xFFFFFFF0];
	[tilespmem:s21+$0x10] =	vst v13  }
0x90: {  	v36 =	vsub.f32 v18, v4;
	v18 =	vmul.f32 v22, v22;
	v25 =	vsub.f32 v19, v3  }
0x91: {  	v21 =	vadd.f32 v21, v20;
	v15 =	vmul.f32 v28, v28;
	v19 =	vsub.f32 v19, v5;
	v22 =	vld [tilespmem:s26+$0x10]  }
0x92: {  	v18 =	vadd.f32 v18, v27;
	v28 =	vsub.f32 v29, v5;
	v26 =	vmul.f32 v25, v25  }
0x93: {  	v20 =	vmul.f32 v19, v19;
	v19 =	vadd.f32 v14, v39;
	v41 =	vsub.f32 v24, v6;
	[tilespmem:s21+$0xFFFFFFE0] =	vst v21  }
0x94: {  	v23 =	vmin.f32 v23, v21;
	v14 =	vmul.f32 v30, v30;
	v27 =	vsub.f32 v32, v7;
	v39 =	vld [tilespmem:s28+$0x0]  }
0x95: {  	v45 =	vsub.f32 v29, v3;
	v25 =	vmul.f32 v28, v28;
	v21 =	vsub.f32 v32, v4;
	[tilespmem:s21+$0x0] =	vst v19  }
0x96: {  	v29 =	vsub.f32 v37, v8;
	v27 =	vmul.f32 v27, v27;
	v30 =	vsub.f32 v22, v6;
	[tilespmem:s22+$0x0] =	vst v10  }
0x97: {  	v42 =	vsub.f32 v24, v8;
	v32 =	vmul.f32 v36, v36;
	v28 =	vmul.f32 v21, v21;
	[tilespmem:s22+$0x10] =	vst v11  }
0x98: {  	v46 =	vsub.f32 v34, v5;
	v21 =	vsub.f32 v22, v8;
	v24 =	vmul.f32 v30, v30  }
0x99: {  	v31 =	vadd.f32 v43, v31;
	v47 =	vmul.f32 v42, v42;
	v36 =	vld [tilespmem:s29+$0xFFFFFFE0];
	v42 =	vsub.f32 v39, v4  }
.Ltmp4:
0x9a: {  	v22 =	vsub.f32 v37, v6;
	v30 =	vmul.f32 v21, v21;
	v43 =	vsub.f32 v39, v7;
	(pc) =	sbr.rel @p0 .LBB2_3-.Ltmp4, $4  }
0x9b: {  	v48 =	vadd.f32 v12, v38;
	v12 =	vmovc v40;
	v21 =	vmul.f32 v41, v41;
	v39 =	vmul.f32 v42, v42  }
0x9c: {  	v37 =	vmul.f32 v35, v35;
	v41 =	vsub.f32 v34, v3;
	v34 =	vmul.f32 v44, v44  }
0x9d: {  	v33 =	vmin.f32 v33, v31;
	v38 =	vmul.f32 v46, v46;
	v40 =	vmul.f32 v43, v43  }
0x9e: {  	s26 =	sadd.s32 $0x40, s26;
	s28 =	sadd.s32 $0x40, s28;
	v35 =	vadd.f32 v16, v48;
	v16 =	vmovc v47;
	s29 =	sadd.s32 $0x40, s29;
	v43 =	vmul.f32 v45, v45;
	v42 =	vsub.f32 v36, v3  }
0x9f: {  	v3 =	vsub.f32 v36, v5;
	v4 =	vmul.f32 v41, v41  }
0xa0: {  	v5 =	vadd.f32 v39, v26;
	v8 =	vmin.f32 v9, v18;
	v20 =	vadd.f32 v40, v20  }
0xa1: {  	v61 =	vadd.f32 v27, v38;
	v62 =	vadd.f32 v37, v25;
	v6 =	vmul.f32 v42, v42  }
0xa2: {  	v9 =	vmul.f32 v29, v29;
	v7 =	vadd.f32 v32, v43;
	v4 =	vadd.f32 v28, v4  }
0xa3: {  	v19 =	vmin.f32 v23, v19;
	[tilespmem:s21+$0xFFFFFFF0] =	vst v18;
	v18 =	vadd.f32 v34, v20;
	v6 =	vadd.f32 v15, v6  }
0xa4: {  	v20 =	vadd.f32 v30, v62;
	v3 =	vmul.f32 v3, v3;
	v15 =	vmul.f32 v22, v22  }
0xa5: {  	[tilespmem:s22+$0xFFFFFFF0] =	vst v31;
	v8 =	vmin.f32 v8, v13;
	v5 =	vadd.f32 v14, v5;
	v6 =	vadd.f32 v21, v6  }
0xa6: {  	[tilespmem:s22+$0xFFFFFFE0] =	vst v35;
	v13 =	vmin.f32 v17, v35;
	v3 =	vadd.f32 v12, v3;
	v4 =	vadd.f32 v15, v4  }
0xa7: {  	v9 =	vadd.f32 v9, v61;
	v7 =	vadd.f32 v24, v7;
	[tilespmem:s20+$0xFFFFFFE0] =	vst v6;
	v6 =	vmin.f32 v19, v6  }
0xa8: {  	[tilespmem:s20+$0x0] =	vst v5;
	v3 =	vadd.f32 v16, v3;
	v8 =	vmin.f32 v8, v4;
	v5 =	vmin.f32 v6, v5  }
0xa9: {  	[tilespmem:s20+$0x10] =	vst v7;
	v6 =	vmin.f32 v8, v7;
	v7 =	vmin.f32 v33, v11;
	v8 =	vmin.f32 v13, v10  }
0xaa: {  	[tilespmem:s19+$0x0] =	vst v18;
	v5 =	vmin.f32 v5, v6;
	v6 =	vmin.f32 v7, v9;
	v7 =	vmin.f32 v8, v3  }
0xab: {  	[tilespmem:s20+$0xFFFFFFF0] =	vst v4;
	(xrf0) =	vmax.scan.msk.f32 $0xffff, v5;
	v4 =	vmin.f32 v6, v20;
	v5 =	vmin.f32 v7, v18  }
0xac: {  	[tilespmem:s19+$0x10] =	vst v20;
	v4 =	vmin.f32 v5, v4  }
0xad: {  	[tilespmem:s19+$0xFFFFFFF0] =	vst v9;
	(xrf0) =	vmax.scan.msk.f32 $0xffff, v4  }
0xae: {  	s29 =	simm.s32 $0x3010;
	[tilespmem:s19+$0xFFFFFFE0] =	vst v3  }
0xaf: {  	v17 =	vld [tilespmem:s29+$0xFFFFFFF0]  }
0xb0: {  	s30 =	simm.s32 $0x4010;
	v3 =	vld [tilespmem:s29+$0x0]  }
0xb1: {  	v5 =	vld [tilespmem:s30+$0xFFFFFFF0];
	v4, _, _ =	vpop (xrf0)  }
0xb2: {  	v10 =	vbroadcast v4, $0xF  }
0xb3: {  	v4 =	vld [tilespmem:s30+$0x0];
	v6, _, _ =	vpop (xrf0)  }
0xb4: {  	s31 =	simm.s32 $0x3030;
	vm0 =	vle.f32 v17, v10;
	v11 =	vbroadcast v6, $0xF  }
0xb5: {  	s19 =	simm.s32 $0x4030;
	v8 =	vld [tilespmem:s31+$0x0];
	vm1 =	vle.f32 v3, v10;
	(xrf0) =	vadd.scan.msk.s32 vm0, v0  }
0xb6: {  	v7 =	vld [tilespmem:s19+$0xFFFFFFF0];
	vm2 =	vle.f32 v5, v11;
	(xrf0) =	vadd.scan.msk.s32 vm1, v0  }
0xb7: {  	(xrf0) =	vadd.scan.msk.s32 vm2, v0  }
0xb8: {  	v6 =	vld [tilespmem:s31+$0xFFFFFFF0];
	v12 =	vmpcnt.ones.xlane vm0;
	vm3 =	vle.f32 v4, v11  }
0xb9: {  	v9 =	vld [tilespmem:s19+$0x0];
	(xrf0) =	vadd.scan.msk.s32 vm3, v0  }
0xba: {  	v14 =	vimm.s32 $0x0;
	vm6 =	vle.f32 v8, v10  }
0xbb: {  	vm7 =	vmmov vm0;
	vm0 =	vmmov vm1;
	vm5 =	vle.f32 v7, v11;
	v13, _, _ =	vpop (xrf0)  }
0xbc: {  	v15 =	vmpcnt.ones.xlane vm2;
	v16 =	vadd.s32 v14, v12;
	v19 =	vadd.s32 v14, v13;
	v12, _, _ =	vpop (xrf0)  }
0xbd: {  	vm2 =	vmmov vm2;
	vm1 =	vmmov vm3;
	vm3 =	vle.f32 v6, v10;
	v18, _, _ =	vpop (xrf0)  }
0xbe: {  	vm4 =	vle.f32 v9, v11;
	(xrf0) =	vadd.scan.msk.s32 vm3, v0;
	v13 =	vmpcnt.ones.xlane vm0;
	v18 =	vadd.s32 v14, v18  }
0xbf: {  	v20 =	vmpcnt.ones.xlane vm1;
	v63 =	vadd.s32 v14, v15;
	(xrf0) =	vadd.scan.msk.s32 vm6, v0;
	v12 =	vadd.s32 v16, v12;
	v14, _, _ =	vpop (xrf0)  }
0xc0: {  	(xrf0) =	vadd.scan.msk.s32 vm5, v0;
	v13 =	vadd.s32 v16, v13;
	v16 =	vmpcnt.ones.xlane vm3;
	v15 =	vadd.s32 v63, v14  }
0xc1: {  	s21 =	simm.s32 $0x3050;
	s20 =	simm.s32 $0x2;
	vm3 =	vmmov vm3;
	v14 =	vmpcnt.ones.xlane vm5;
	[tilespmem:v19+s14+$0x0] =	vst.idx.msk vm7, v17;
	v17 =	vadd.s32 v63, v20  }
.LBB2_5:
0xc2: {  	v19 =	vld [tilespmem:s21+$0xFFFFFFF0];
	s20 =	sadd.s32 $0x2, s20;
	s19 =	sadd.s32 $0x20, s19;
	(xrf0) =	vadd.scan.msk.s32 vm4, v0  }
0xc3: {  	p0 =	slt.u32 s20, $0xFE;
	[tilespmem:v18+s15+$0x0] =	vst.idx.msk vm2, v5;
	v5 =	vmov v7;
	v7 =	vld [tilespmem:s19+$0xFFFFFFF0];
	vm2 =	vmmov vm5  }
0xc4: {  	v18, _, _ =	vpop (xrf0);
	[tilespmem:v12+s14+$0x0] =	vst.idx.msk vm0, v3;
	v3 =	vmov v8;
	v8 =	vld [tilespmem:s21+$0x0];
	vm0 =	vmmov vm6  }
0xc5: {  	v20 =	vadd.s32 v13, v18;
	v18 =	vmpcnt.ones.xlane vm0;
	[tilespmem:v15+s15+$0x0] =	vst.idx.msk vm1, v4;
	v4 =	vmovc v9;
	v9 =	vld [tilespmem:s19+$0x0];
	vm1 =	vmmov vm4  }
0xc6: {  	v13 =	vadd.s32 v13, v16;
	v21 =	vmpcnt.ones.xlane vm1;
	v12, _, _ =	vpop (xrf0)  }
.Ltmp5:
0xc7: {  	vm7 =	vle.f32 v19, v10;
	v12 =	vadd.s32 v13, v12;
	v13 =	vadd.s32 v13, v18;
	v15, _, _ =	vpop (xrf0);
	(pc) =	sbr.rel @p0 .LBB2_5-.Ltmp5, $4  }
0xc8: {  	v16 =	vmpcnt.ones.xlane vm7;
	(xrf0) =	vadd.scan.msk.s32 vm7, v0;
	v18 =	vadd.s32 v17, v15;
	v17 =	vadd.s32 v17, v14;
	v14, _, _ =	vpop (xrf0)  }
0xc9: {  	vm5 =	vle.f32 v7, v11;
	vm6 =	vle.f32 v8, v10;
	v15 =	vadd.s32 v17, v14  }
0xca: {  	v14 =	vmpcnt.ones.xlane vm5;
	vm4 =	vle.f32 v9, v11;
	(xrf0) =	vadd.scan.msk.s32 vm6, v0;
	[tilespmem:v20+s14+$0x0] =	vst.idx.msk vm3, v6;
	v6 =	vmovc v19  }
0xcb: {  	s21 =	sadd.s32 $0x20, s21;
	v17 =	vadd.s32 v17, v21;
	vm3 =	vmmov vm7;
	(xrf0) =	vadd.scan.msk.s32 vm5, v0  }
0xcc: {  	vm6 =	vmmov vm6  }
0xcd: {  	v10 =	vmpcnt.ones.xlane vm6  }
0xce: {  	v11 =	vadd.s32 v13, v16  }
0xcf: {  	v10 =	vadd.s32 v11, v10  }
0xd0: {  	(xrf0) =	vadd.scan.msk.s32 vm4, v0;
	v10 =	vxor.u32 $0x80000000, v10  }
0xd1: {  	(xrf0) =	vmax.scan.msk.u32 $0xffff, v10;
	_ =	sdelay $0x1  }
0xd2: {  	v58, _, _ =	vpop (xrf0)  }
0xd3: {  	v59, _, _ =	vpop (xrf0)  }
0xd4: {  	v60, _, _ =	vpop (xrf0)  }
0xd5: {  	v62, _, _ =	vpop (xrf0)  }
0xd6: {  	v63, _, _ =	vpop (xrf0)  }
0xd7: {  	v10 =	vadd.s32 v13, v58;
	(v2sf) =	vpush v63, $0xF  }
0xd8: {  	vm5 =	vmmov vm5;
	vm15 =	vmmov vm4;
	[tilespmem:v18+s15+$0x0] =	vst.idx.msk vm2, v5;
	v5 =	vadd.s32 v11, v59  }
0xd9: {  	v14 =	vadd.s32 v17, v14;
	v61 =	vmpcnt.ones.xlane vm15;
	v13 =	vadd.s32 v17, v60  }
0xda: {  	[tilespmem:v12+s14+$0x0] =	vst.idx.msk vm0, v3;
	v3 =	vadd.s32 v14, v62  }
0xdb: {  	[tilespmem:v15+s15+$0x0] =	vst.idx.msk vm1, v4;
	v4 =	vadd.s32 v14, v61  }
0xdc: {  	v4 =	vxor.u32 $0x80000000, v4;
	[tilespmem:v10+s14+$0x0] =	vst.idx.msk vm3, v6  }
0xdd: {  	(xrf0) =	vmax.scan.msk.u32 $0xffff, v4;
	[tilespmem:v5+s14+$0x0] =	vst.idx.msk vm6, v8  }
0xde: {  	[tilespmem:v13+s15+$0x0] =	vst.idx.msk vm5, v7  }
0xdf: {  	[tilespmem:v3+s15+$0x0] =	vst.idx.msk vm15, v9  }
0xe0: {  	v3 =	vld [tilespmem:$0x5001];
	_ =	sdelay $0x2  }
0xe1: {  	v4, _, _ =	vpop (xrf0)  }
0xe2: {  	(v2sf) =	vpush v4, $0xF  }
0xe3: {  	(xrf1) =	vsort.ascd.msk.f32 $0xffff, v3, v3  }
0xe4: {  	s20 =	spop (v2sf)  }
0xe5: {  	s19 =	sadd.s32 $0x7FFFFFFF, s20  }
0xe6: {  	s21 =	sand.u32 $0xF, s19  }
0xe7: {  	s22 =	sshra.s32 s19, $0x1F;
	p0 =	slt.s32 s19, $0x1;
	p1 =	sne.s32 s21, $0x0  }
0xe8: {  	s31 =	sshrl.u32 s22, $0x1C;
	p0 =	por !p0, !p1  }
0xe9: {  	s21 =	simm.s32 $0x1;
	s19 =	sadd.s32 s31, s19;
	p0 =	por !p0, !p0  }
0xea: {  	s19 =	sshra.s32 s19, $0x4;
	s21 =	simm.s32 @!p0 $0x0  }
0xeb: {  	s21 =	ssub.s32 s19, s21  }
0xec: {  	p0 =	slt.s32 s21, $0x1  }
.Ltmp6:
0xed: {  	_ = 	snop;
	(pc) =	sbr.rel @p0 .LBB2_14-.Ltmp6, $2  }
0xee: {  	_ =	sdelay $0x2  }
0xef: {  	v3, _, _ =	vpop (xrf1);
	s19 =	spop (v2sf)  }
0xf0: {  	p2 =	sne.s32 s21, $0x1  }
.Ltmp7:
0xf1: {  	_ = 	snop;
	(pc) =	sbr.rel @!p2 .LBB2_8-.Ltmp7, $3  }
0xf2: {  	_ =	sdelay $0x1  }
0xf3: {  	s22 =	sxor.u32 $0x80000000, s20;
	s23 =	simm.s32 $0x5011;
	s20 =	simm.s32 $0x10  }
0xf4: {  	s21 =	sadd.s32 $0xFFFFFFFF, s21;
	p0 =	por $0x0, $0x0;
	p1 =	por $0x0, $0x0;
	v4 =	vmov s22;
	v5 =	vld [tilespmem:s23+$0x0]  }
0xf5: {  	p2 =	sne.s32 s21, $0x1  }
.Ltmp8:
0xf6: {  	_ = 	snop;
	(pc) =	sbr.rel @!p2 .LBB2_10-.Ltmp8, $4  }
0xf7: {  	v6 =	vor.u32 s20, v1  }
0xf8: {  	vm0 =	vlt.s32 v6, v4  }
0xf9: {  	s22 =	simm.s32 $0x5021;
	v5 =	vnsel vm0, $0x7F800000, v5  }
0xfa: {  	s23 =	sadd.s32 $0xFFFFFFFF, s21;
	p0 =	por $0x1, $0x1;
	(xrf1) =	vsort.ascd.msk.f32 $0xffff, v5, v5;
	v5 =	vld [tilespmem:s22+$0x0]  }
0xfb: {  	_ =	sdelay $0xa  }
0xfc: {  	v6 =	vmul.u32 $0xFFFFFFFF, v1;
	s21 =	simm.s32 $0x20  }
0xfd: {  	v7 =	vor.u32 s21, v1  }
0xfe: {  	v6 =	vadd.s32 $0xF, v6;
	vm0 =	vlt.s32 v7, v4;
	v8, _, _ =	vpop (xrf1)  }
0xff: {  	v5 =	vnsel vm0, $0x7F800000, v5;
	v7 =	vperm.xlane v8, v6  }
0x100: {  	(xrf1) =	vsort.ascd.msk.f32 $0xffff, v5, v5  }
0x101: {  	v5 =	vmin.f32 v3, v7  }
0x102: {  	(xrf1) =	vsort.ascd.msk.f32 $0xffff, v5, v5;
	_ =	sdelay $0x2  }
0x103: {  	p2 =	sne.s32 s23, $0x1  }
.Ltmp9:
0x104: {  	_ = 	snop;
	(pc) =	sbr.rel @!p2 .LBB2_13-.Ltmp9, $3  }
0x105: {  	_ =	sdelay $0x1  }
0x106: {  	s22 =	simm.s32 $0x5031  }
0x107: {  	s23 =	sadd.s32 $0xFFFFFFFF, s23;
	p1 =	por $0x1, $0x1;
	v5 =	vld [tilespmem:s22+$0x0]  }
.LBB2_12:
0x108: {  	p2 =	sne.s32 s23, $0x1  }
0x109: {  	s21 =	sadd.s32 $0x10, s21  }
0x10a: {  	v8 =	vor.u32 s21, v1  }
0x10b: {  	vm0 =	vlt.s32 v8, v4;
	v7, _, _ =	vpop (xrf1)  }
0x10c: {  	v8 =	vnsel vm0, $0x7F800000, v5;
	v7 =	vperm.xlane v7, v6  }
0x10d: {  	(xrf1) =	vsort.ascd.msk.f32 $0xffff, v8, v8;
	v5, _, _ =	vpop (xrf1)  }
0x10e: {  	v5 =	vmin.f32 v5, v7  }
0x10f: {  	(xrf1) =	vsort.ascd.msk.f32 $0xffff, v5, v5;
	_ =	sdelay $0x3  }
.Ltmp10:
0x110: {  	(pc) =	sbr.rel @p2 .LBB2_12-.Ltmp10, $3  }
0x111: {  	_ =	sdelay $0x1  }
0x112: {  	s22 =	sadd.s32 $0x10, s22  }
0x113: {  	s23 =	sadd.s32 $0xFFFFFFFF, s23;
	v5 =	vld [tilespmem:s22+$0x0]  }
.LBB2_13:
0x114: {  	v6 =	vmul.u32 @p0 $0xFFFFFFFF, v1;
	_ =	sdelay $0x1  }
0x115: {  	s21 =	sadd.s32 @p0 $0x10, s21;
	v6 =	vadd.s32 @p0 $0xF, v6  }
0x116: {  	s20 =	smov.u32 @p0 s21  }
0x117: {  	v7 =	vor.u32 s20, v1;
	v8, _, _ =	vpop @p0 (xrf1)  }
0x118: {  	vm0 =	vlt.s32 v7, v4;
	v4 =	vperm.xlane @p0 v8, v6;
	v6, _, _ =	vpop @p1 (xrf1)  }
0x119: {  	v5 =	vnsel vm0, $0x7F800000, v5;
	v6 =	vpsel p1, v6, v3  }
0x11a: {  	(xrf1) =	vsort.ascd.msk.f32 $0xffff, v5, v5;
	v4 =	vmin.f32 @p0 v6, v4  }
0x11b: {  	(xrf1) =	vsort.ascd.msk.f32 @p0 $0xffff, v4, v4;
	_ =	sdelay $0xa  }
0x11c: {  	v4 =	vmul.u32 $0xFFFFFFFF, v1;
	_ =	sdelay $0x1  }
0x11d: {  	v4 =	vadd.s32 $0xF, v4;
	v5, _, _ =	vpop (xrf1)  }
0x11e: {  	v4 =	vperm.xlane v5, v4;
	v5, _, _ =	vpop @p0 (xrf1)  }
0x11f: {  	v3 =	vpsel p0, v5, v3  }
0x120: {  	v3 =	vmin.f32 v3, v4  }
0x121: {  	(xrf1) =	vsort.ascd.msk.f32 $0xffff, v3, v3;
	_ =	sdelay $0xd  }
0x122: {  	v3, _, _ =	vpop (xrf1)  }
.LBB2_14:
0x123: {  	v3 =	vadd.f32 $9.999999960e-13, v3;
	_ =	sdelay $0x1  }
0x124: {  	v4 =	vshra.s32 v3, $0x1  }
0x125: {  	v4 =	vadd.s32 $0x1FBD1DF5, v4  }
0x126: {  	(erf) = vrcp.f32 v4;
	_ =	sdelay $0x8  }
0x127: {  	v5 =	vpop (erf)  }
0x128: {  	v5 =	vmul.f32 v5, v3;
	_ =	sdelay $0x1  }
0x129: {  	v4 =	vadd.f32 v4, v5;
	_ =	sdelay $0x1  }
0x12a: {  	v4 =	vmul.f32 $5.000000000e-01, v4;
	_ =	sdelay $0x1  }
0x12b: {  	(erf) = vrcp.f32 v4;
	_ =	sdelay $0x4  }
0x12c: {  	v5 =	vld [tilespmem:$0x6081];
	_ =	sdelay $0x3  }
0x12d: {  	v6 =	vpop (erf)  }
0x12e: {  	(xrf1) =	vsort.ascd.msk.f32 $0xffff, v5, v5;
	v6 =	vmul.f32 v6, v3;
	_ =	sdelay $0x1  }
0x12f: {  	v4 =	vadd.f32 v6, v4  }
0x130: {  	s20 =	sadd.s32 $0x7FFFFFFF, s19  }
0x131: {  	s21 =	sand.u32 $0xF, s20;
	v4 =	vmul.f32 $5.000000000e-01, v4  }
0x132: {  	s31 =	sshra.s32 s20, $0x1F;
	p1 =	slt.s32 s20, $0x1;
	p0 =	sne.s32 s21, $0x0  }
0x133: {  	s21 =	sshrl.u32 s31, $0x1C;
	p0 =	por !p1, !p0;
	(erf) = vrcp.f32 v4  }
0x134: {  	s20 =	sadd.s32 s21, s20;
	s21 =	simm.s32 $0x1;
	p0 =	por !p0, !p0  }
0x135: {  	s20 =	sshra.s32 s20, $0x4;
	s21 =	simm.s32 @!p0 $0x0  }
0x136: {  	s20 =	ssub.s32 s20, s21  }
0x137: {  	p0 =	slt.s32 s20, $0x1  }
.Ltmp11:
0x138: {  	_ = 	snop;
	(pc) =	sbr.rel @p0 .LBB2_22-.Ltmp11, $3  }
0x139: {  	_ =	sdelay $0x1  }
0x13a: {  	v6, _, _ =	vpop (xrf1)  }
0x13b: {  	v5 =	vpop (erf)  }
0x13c: {  	p2 =	sne.s32 s20, $0x1  }
.Ltmp12:
0x13d: {  	_ = 	snop;
	(pc) =	sbr.rel @!p2 .LBB2_16-.Ltmp12, $3  }
0x13e: {  	_ =	sdelay $0x1  }
0x13f: {  	s21 =	sxor.u32 $0x80000000, s19;
	s22 =	simm.s32 $0x6091;
	s19 =	simm.s32 $0x10  }
0x140: {  	s20 =	sadd.s32 $0xFFFFFFFF, s20;
	p0 =	por $0x0, $0x0;
	p1 =	por $0x0, $0x0;
	v7 =	vmov s21;
	v8 =	vld [tilespmem:s22+$0x0]  }
0x141: {  	_ =	sdelay $0x1  }
0x142: {  	v9 =	vor.u32 s19, v1  }
0x143: {  	vm0 =	vlt.s32 v9, v7  }
0x144: {  	v8 =	vnsel vm0, $0x7F800000, v8  }
0x145: {  	(xrf1) =	vsort.ascd.msk.f32 $0xffff, v8, v8;
	_ =	sdelay $0x3  }
0x146: {  	p2 =	sne.s32 s20, $0x1  }
.Ltmp13:
0x147: {  	_ = 	snop;
	(pc) =	sbr.rel @!p2 .LBB2_18-.Ltmp13, $3  }
0x148: {  	_ =	sdelay $0x1  }
0x149: {  	s21 =	simm.s32 $0x60A1  }
0x14a: {  	s22 =	sadd.s32 $0xFFFFFFFF, s20;
	p0 =	por $0x1, $0x1;
	v8 =	vld [tilespmem:s21+$0x0]  }
0x14b: {  	_ =	sdelay $0x1  }
0x14c: {  	v9 =	vmul.u32 $0xFFFFFFFF, v1;
	s20 =	simm.s32 $0x20  }
0x14d: {  	v10 =	vor.u32 s20, v1  }
0x14e: {  	v9 =	vadd.s32 $0xF, v9;
	vm0 =	vlt.s32 v10, v7;
	v11, _, _ =	vpop (xrf1)  }
0x14f: {  	v8 =	vnsel vm0, $0x7F800000, v8;
	v10 =	vperm.xlane v11, v9  }
0x150: {  	(xrf1) =	vsort.ascd.msk.f32 $0xffff, v8, v8  }
0x151: {  	v8 =	vmin.f32 v6, v10  }
0x152: {  	(xrf1) =	vsort.ascd.msk.f32 $0xffff, v8, v8;
	_ =	sdelay $0x2  }
0x153: {  	p2 =	sne.s32 s22, $0x1  }
.Ltmp14:
0x154: {  	_ = 	snop;
	(pc) =	sbr.rel @!p2 .LBB2_21-.Ltmp14, $3  }
0x155: {  	_ =	sdelay $0x1  }
0x156: {  	s21 =	simm.s32 $0x60B1  }
0x157: {  	s22 =	sadd.s32 $0xFFFFFFFF, s22;
	p1 =	por $0x1, $0x1;
	v8 =	vld [tilespmem:s21+$0x0]  }
.LBB2_20:
0x158: {  	p2 =	sne.s32 s22, $0x1  }
0x159: {  	s20 =	sadd.s32 $0x10, s20  }
0x15a: {  	v11 =	vor.u32 s20, v1  }
0x15b: {  	vm0 =	vlt.s32 v11, v7;
	v10, _, _ =	vpop (xrf1)  }
0x15c: {  	v11 =	vnsel vm0, $0x7F800000, v8;
	v10 =	vperm.xlane v10, v9  }
0x15d: {  	(xrf1) =	vsort.ascd.msk.f32 $0xffff, v11, v11;
	v8, _, _ =	vpop (xrf1)  }
0x15e: {  	v8 =	vmin.f32 v8, v10  }
0x15f: {  	(xrf1) =	vsort.ascd.msk.f32 $0xffff, v8, v8;
	_ =	sdelay $0x3  }
.Ltmp15:
0x160: {  	(pc) =	sbr.rel @p2 .LBB2_20-.Ltmp15, $3  }
0x161: {  	_ =	sdelay $0x1  }
0x162: {  	s21 =	sadd.s32 $0x10, s21  }
0x163: {  	s22 =	sadd.s32 $0xFFFFFFFF, s22;
	v8 =	vld [tilespmem:s21+$0x0]  }
.Ltmp16:
0x164: {  	_ = 	snop;
	(pc) =	sbr.rel .LBB2_21-.Ltmp16, $1  }
0x165: {  	_ =	sdelay $0x3  }
.LBB2_8:
.Ltmp17:
0x166: {  	(pc) =	sbr.rel .LBB2_13-.Ltmp17, $2  }
0x167: {  	_ =	sdelay $0x2  }
0x168: {  	s21 =	simm.s32 $0x10  }
.LBB2_10:
.Ltmp18:
0x169: {  	(pc) =	sbr.rel .LBB2_13-.Ltmp18, $2  }
0x16a: {  	_ =	sdelay $0x2  }
0x16b: {  	s21 =	simm.s32 $0x10  }
.LBB2_18:
.Ltmp19:
0x16c: {  	(pc) =	sbr.rel .LBB2_21-.Ltmp19, $2  }
0x16d: {  	_ =	sdelay $0x2  }
0x16e: {  	s20 =	simm.s32 $0x10  }
.LBB2_24:
0x16f: {  	_ =	sfence.sel $0x180000  }
0x170: {  	[bflag:$0x0] =	sbarrier.arrive $0xFFFF  }
0x171: {  	p0 =	sne.s32 s0, $0x0;
	_ =	strace $0x90000047  }
0x172: {  	s0 =	sadd.s32 @!p0 $0x100000, s1;
	[bflag:$0x2] =	sbarrier.arrive $0xFFFF  }
0x173: {  	[sflag:s0] =	ssyncadd.tile.s32 @!p0 $0x1;
	_ =	shalt  }
.Lfunc_end2:
_tile_overlayer_lowered:
.L_overlay_start_2:
0x174: {  	(tag) =	ssettag $0x2  }
0x175: {  	s0 =	rddreg [dreg:$0x0];
	s2 =	stileid.u32  }
0x176: {  	s1 =	rddreg [dreg:$0x1];
	p0 =	sne.s32 s2, $0x0  }
0x177: {  	s3 =	rddreg [dreg:$0x2];
	[bflag:$0x3] =	sbarrier.arrive $0xFFFF;
	s2 =	simm.s32 @!p0 $0x1C01  }
0x178: {  	[timem:s3], [sflag:s2] =	dma.local @!p0 [hbm:s0], s1  }
0x179: {  	s0 =	simm.s32 @!p0 $0x1  }
0x17a: {  	_ =	swait.ge @!p0 [sflag:s0], s1  }
0x17b: {  	s1 =	ssub.s32 @!p0 $0x0, s1;
	[sflag:s0] =	ssyncset.done @!p0 $0x0  }
0x17c: {  	[sflag:s0] =	ssyncadd.s32 @!p0 s1  }
0x17d: {  	[bflag:$0x3] =	sbarrier.arrive $0xFFFF  }
0x17e: {  	_ =	shalt  }

</sc_bundles>
